<compile_context>
chip_gen: v7x
topology: tpu7x:2x2x1
jax: 0.10.2.dev20260603
libtpu: 0.0.44.dev20260713+nightly
codegen_flags: <defaults>
</compile_context>

<pallas_src>
import functools

import jax
import jax.numpy as jnp
from jax import lax
from jax.experimental import pallas as pl
from jax.experimental.pallas import tpu as pltpu
from jax.experimental.pallas import tpu_sc as plsc

_TOTAL = 64 * 64 * 4096
_NW = 32
_PER_W = _TOTAL // _NW
_CHUNK = 32768
_NCH = _PER_W // _CHUNK


def _sc_copy(x_hbm, out_hbm, buf0, buf1, sin, sout):
    wid = lax.axis_index("s") * 2 + lax.axis_index("c")
    base = wid * _PER_W
    bufs = (buf0, buf1)

    def cp_in(i):
        return pltpu.make_async_copy(
            x_hbm.at[pl.ds(base + i * _CHUNK, _CHUNK)], bufs[i % 2], sin)

    def cp_out(i):
        return pltpu.make_async_copy(
            bufs[i % 2], out_hbm.at[pl.ds(base + i * _CHUNK, _CHUNK)], sout)

    cp_in(0).start()
    for i in range(_NCH):
        cp_in(i).wait()
        cp_out(i).start()
        if i + 1 < _NCH:
            if i - 1 >= 0:
                cp_out(i - 1).wait()
            cp_in(i + 1).start()
    cp_out(_NCH - 1).wait()


def kernel(x):
    mesh = plsc.VectorSubcoreMesh(core_axis_name="c", subcore_axis_name="s")
    k = functools.partial(
        pl.kernel,
        out_type=jax.ShapeDtypeStruct((_TOTAL,), jnp.float32),
        mesh=mesh,
        scratch_types=[
            pltpu.VMEM((_CHUNK,), jnp.float32),
            pltpu.VMEM((_CHUNK,), jnp.float32),
            pltpu.SemaphoreType.DMA,
            pltpu.SemaphoreType.DMA,
        ],
    )(_sc_copy)
    return k(x.reshape(-1)).reshape(x.shape)

# --- scband reference (transcript-rebuilt; emitter-appended) ---
"""Pipeline reference for scband-connector-31593779429809 (READ-ONLY COPY).

The authoritative reference and input builder live on the scoring server;
editing this copy changes nothing except your own understanding.
"""

import jax, jax.numpy as jnp
import numpy as np

INPUT_SEMANTICS = ["c%d" % i for i in range(64)]


def setup_inputs(seed: int = 0) -> dict:
    key = jax.random.key(seed)
    x = jax.random.normal(key, (64, 64, 4096), dtype=jnp.float32)
    return {"x": x}


def reference(x):
    # Faithful translation of Connector.forward: x[:, indices, :]
    # indices = [input_semantics.index(s) for s in input_semantics]
    indices = jnp.array([INPUT_SEMANTICS.index(s) for s in INPUT_SEMANTICS], dtype=jnp.int32)
    return jnp.take(x, indices, axis=1)

if __name__ == "__main__":
    import jax
    _d = setup_inputs()
    print(jax.jit(kernel)(*tuple(_d.values())))

</pallas_src>

<mosaic_0001>
#map = affine_map<(d0, d1) -> (0)>
module attributes {stable_mosaic.version = 14 : i64} {
  func.func @_sc_copy(%arg0: i32, %arg1: i32, %arg2: memref<16777216xf32, #tpu.memory_space<hbm>>, %arg3: memref<16777216xf32, #tpu.memory_space<hbm>>, %arg4: memref<32768xf32, #tpu.memory_space<vmem>>, %arg5: memref<32768xf32, #tpu.memory_space<vmem>>, %arg6: memref<!tpu.dma_semaphore, #tpu.memory_space<semaphore_mem>>, %arg7: memref<!tpu.dma_semaphore, #tpu.memory_space<semaphore_mem>>) attributes {dimension_semantics = [#tpu.dimension_semantics<core_parallel>, #tpu.dimension_semantics<subcore_parallel>], iteration_bounds = array<i64: 2, 16>, scalar_prefetch = 0 : i64, scratch_operands = 4 : i64, tpu.core_type = #tpu.core_type<sc_vector_subcore>, window_params = [{transform_indices = #map}, {transform_indices = #map}]} {
    %mul3A = arith.constant 2 : i32
    %mul3A_0 = arith.muli %arg1, %mul3A : i32
    %add3A = arith.addi %mul3A_0, %arg0 : i32
    %mul3A_1 = arith.constant 524288 : i32
    %mul3A_2 = arith.muli %add3A, %mul3A_1 : i32
    %add3A_3 = arith.constant 0 : i32
    %add3A_4 = arith.addi %mul3A_2, %add3A_3 : i32
    %dma_start3A = tpu.memref_slice %arg2[%add3A_4] : memref<16777216xf32, #tpu.memory_space<hbm>> -> memref<32768xf32, #tpu.memory_space<hbm>>
    %dma_start3A_5 = tpu.memref_slice %arg2[%add3A_4] : memref<16777216xf32, #tpu.memory_space<hbm>> -> memref<32768xf32, #tpu.memory_space<hbm>>
    tpu.enqueue_dma source(%dma_start3A_5 : memref<32768xf32, #tpu.memory_space<hbm>>) target(%arg4 : memref<32768xf32, #tpu.memory_space<vmem>>) target_semaphore(%arg6 : memref<!tpu.dma_semaphore, #tpu.memory_space<semaphore_mem>>)
    %add3A_6 = arith.constant 0 : i32
    %add3A_7 = arith.addi %mul3A_2, %add3A_6 : i32
    %dma_wait3A = tpu.memref_slice %arg2[%add3A_7] : memref<16777216xf32, #tpu.memory_space<hbm>> -> memref<32768xf32, #tpu.memory_space<hbm>>
    %dma_wait3A_8 = tpu.memref_slice %arg2[%add3A_7] : memref<16777216xf32, #tpu.memory_space<hbm>> -> memref<32768xf32, #tpu.memory_space<hbm>>
    tpu.wait_dma2 semaphore(%arg6 : memref<!tpu.dma_semaphore, #tpu.memory_space<semaphore_mem>>) src(%dma_wait3A_8 : memref<32768xf32, #tpu.memory_space<hbm>>) dst(%arg4 : memref<32768xf32, #tpu.memory_space<vmem>>)
    %add3A_9 = arith.constant 0 : i32
    %add3A_10 = arith.addi %mul3A_2, %add3A_9 : i32
    %dma_start3A_11 = tpu.memref_slice %arg3[%add3A_10] : memref<16777216xf32, #tpu.memory_space<hbm>> -> memref<32768xf32, #tpu.memory_space<hbm>>
    %dma_start3A_12 = tpu.memref_slice %arg3[%add3A_10] : memref<16777216xf32, #tpu.memory_space<hbm>> -> memref<32768xf32, #tpu.memory_space<hbm>>
    tpu.enqueue_dma source(%arg4 : memref<32768xf32, #tpu.memory_space<vmem>>) target(%dma_start3A_12 : memref<32768xf32, #tpu.memory_space<hbm>>) target_semaphore(%arg7 : memref<!tpu.dma_semaphore, #tpu.memory_space<semaphore_mem>>)
    %add3A_13 = arith.constant 32768 : i32
    %add3A_14 = arith.addi %mul3A_2, %add3A_13 : i32
    %dma_start3A_15 = tpu.memref_slice %arg2[%add3A_14] : memref<16777216xf32, #tpu.memory_space<hbm>> -> memref<32768xf32, #tpu.memory_space<hbm>>
    %dma_start3A_16 = tpu.memref_slice %arg2[%add3A_14] : memref<16777216xf32, #tpu.memory_space<hbm>> -> memref<32768xf32, #tpu.memory_space<hbm>>
    tpu.enqueue_dma source(%dma_start3A_16 : memref<32768xf32, #tpu.memory_space<hbm>>) target(%arg5 : memref<32768xf32, #tpu.memory_space<vmem>>) target_semaphore(%arg6 : memref<!tpu.dma_semaphore, #tpu.memory_space<semaphore_mem>>)
    %add3A_17 = arith.constant 32768 : i32
    %add3A_18 = arith.addi %mul3A_2, %add3A_17 : i32
    %dma_wait3A_19 = tpu.memref_slice %arg2[%add3A_18] : memref<16777216xf32, #tpu.memory_space<hbm>> -> memref<32768xf32, #tpu.memory_space<hbm>>
    %dma_wait3A_20 = tpu.memref_slice %arg2[%add3A_18] : memref<16777216xf32, #tpu.memory_space<hbm>> -> memref<32768xf32, #tpu.memory_space<hbm>>
    tpu.wait_dma2 semaphore(%arg6 : memref<!tpu.dma_semaphore, #tpu.memory_space<semaphore_mem>>) src(%dma_wait3A_20 : memref<32768xf32, #tpu.memory_space<hbm>>) dst(%arg5 : memref<32768xf32, #tpu.memory_space<vmem>>)
    %add3A_21 = arith.constant 32768 : i32
    %add3A_22 = arith.addi %mul3A_2, %add3A_21 : i32
    %dma_start3A_23 = tpu.memref_slice %arg3[%add3A_22] : memref<16777216xf32, #tpu.memory_space<hbm>> -> memref<32768xf32, #tpu.memory_space<hbm>>
    %dma_start3A_24 = tpu.memref_slice %arg3[%add3A_22] : memref<16777216xf32, #tpu.memory_space<hbm>> -> memref<32768xf32, #tpu.memory_space<hbm>>
    tpu.enqueue_dma source(%arg5 : memref<32768xf32, #tpu.memory_space<vmem>>) target(%dma_start3A_24 : memref<32768xf32, #tpu.memory_space<hbm>>) target_semaphore(%arg7 : memref<!tpu.dma_semaphore, #tpu.memory_space<semaphore_mem>>)
    %add3A_25 = arith.constant 0 : i32
    %add3A_26 = arith.addi %mul3A_2, %add3A_25 : i32
    %dma_wait3A_27 = tpu.memref_slice %arg3[%add3A_26] : memref<16777216xf32, #tpu.memory_space<hbm>> -> memref<32768xf32, #tpu.memory_space<hbm>>
    %dma_wait3A_28 = tpu.memref_slice %arg3[%add3A_26] : memref<16777216xf32, #tpu.memory_space<hbm>> -> memref<32768xf32, #tpu.memory_space<hbm>>
    tpu.wait_dma2 semaphore(%arg7 : memref<!tpu.dma_semaphore, #tpu.memory_space<semaphore_mem>>) src(%arg4 : memref<32768xf32, #tpu.memory_space<vmem>>) dst(%dma_wait3A_28 : memref<32768xf32, #tpu.memory_space<hbm>>)
    %add3A_29 = arith.constant 65536 : i32
    %add3A_30 = arith.addi %mul3A_2, %add3A_29 : i32
    %dma_start3A_31 = tpu.memref_slice %arg2[%add3A_30] : memref<16777216xf32, #tpu.memory_space<hbm>> -> memref<32768xf32, #tpu.memory_space<hbm>>
    %dma_start3A_32 = tpu.memref_slice %arg2[%add3A_30] : memref<16777216xf32, #tpu.memory_space<hbm>> -> memref<32768xf32, #tpu.memory_space<hbm>>
    tpu.enqueue_dma source(%dma_start3A_32 : memref<32768xf32, #tpu.memory_space<hbm>>) target(%arg4 : memref<32768xf32, #tpu.memory_space<vmem>>) target_semaphore(%arg6 : memref<!tpu.dma_semaphore, #tpu.memory_space<semaphore_mem>>)
    %add3A_33 = arith.constant 65536 : i32
    %add3A_34 = arith.addi %mul3A_2, %add3A_33 : i32
    %dma_wait3A_35 = tpu.memref_slice %arg2[%add3A_34] : memref<16777216xf32, #tpu.memory_space<hbm>> -> memref<32768xf32, #tpu.memory_space<hbm>>
    %dma_wait3A_36 = tpu.memref_slice %arg2[%add3A_34] : memref<16777216xf32, #tpu.memory_space<hbm>> -> memref<32768xf32, #tpu.memory_space<hbm>>
    tpu.wait_dma2 semaphore(%arg6 : memref<!tpu.dma_semaphore, #tpu.memory_space<semaphore_mem>>) src(%dma_wait3A_36 : memref<32768xf32, #tpu.memory_space<hbm>>) dst(%arg4 : memref<32768xf32, #tpu.memory_space<vmem>>)
    %add3A_37 = arith.constant 65536 : i32
    %add3A_38 = arith.addi %mul3A_2, %add3A_37 : i32
    %dma_start3A_39 = tpu.memref_slice %arg3[%add3A_38] : memref<16777216xf32, #tpu.memory_space<hbm>> -> memref<32768xf32, #tpu.memory_space<hbm>>
    %dma_start3A_40 = tpu.memref_slice %arg3[%add3A_38] : memref<16777216xf32, #tpu.memory_space<hbm>> -> memref<32768xf32, #tpu.memory_space<hbm>>
    tpu.enqueue_dma source(%arg4 : memref<32768xf32, #tpu.memory_space<vmem>>) target(%dma_start3A_40 : memref<32768xf32, #tpu.memory_space<hbm>>) target_semaphore(%arg7 : memref<!tpu.dma_semaphore, #tpu.memory_space<semaphore_mem>>)
    %add3A_41 = arith.constant 32768 : i32
    %add3A_42 = arith.addi %mul3A_2, %add3A_41 : i32
    %dma_wait3A_43 = tpu.memref_slice %arg3[%add3A_42] : memref<16777216xf32, #tpu.memory_space<hbm>> -> memref<32768xf32, #tpu.memory_space<hbm>>
    %dma_wait3A_44 = tpu.memref_slice %arg3[%add3A_42] : memref<16777216xf32, #tpu.memory_space<hbm>> -> memref<32768xf32, #tpu.memory_space<hbm>>
    tpu.wait_dma2 semaphore(%arg7 : memref<!tpu.dma_semaphore, #tpu.memory_space<semaphore_mem>>) src(%arg5 : memref<32768xf32, #tpu.memory_space<vmem>>) dst(%dma_wait3A_44 : memref<32768xf32, #tpu.memory_space<hbm>>)
    %add3A_45 = arith.constant 98304 : i32
    %add3A_46 = arith.addi %mul3A_2, %add3A_45 : i32
    %dma_start3A_47 = tpu.memref_slice %arg2[%add3A_46] : memref<16777216xf32, #tpu.memory_space<hbm>> -> memref<32768xf32, #tpu.memory_space<hbm>>
    %dma_start3A_48 = tpu.memref_slice %arg2[%add3A_46] : memref<16777216xf32, #tpu.memory_space<hbm>> -> memref<32768xf32, #tpu.memory_space<hbm>>
    tpu.enqueue_dma source(%dma_start3A_48 : memref<32768xf32, #tpu.memory_space<hbm>>) target(%arg5 : memref<32768xf32, #tpu.memory_space<vmem>>) target_semaphore(%arg6 : memref<!tpu.dma_semaphore, #tpu.memory_space<semaphore_mem>>)
    %add3A_49 = arith.constant 98304 : i32
    %add3A_50 = arith.addi %mul3A_2, %add3A_49 : i32
    %dma_wait3A_51 = tpu.memref_slice %arg2[%add3A_50] : memref<16777216xf32, #tpu.memory_space<hbm>> -> memref<32768xf32, #tpu.memory_space<hbm>>
    %dma_wait3A_52 = tpu.memref_slice %arg2[%add3A_50] : memref<16777216xf32, #tpu.memory_space<hbm>> -> memref<32768xf32, #tpu.memory_space<hbm>>
    tpu.wait_dma2 semaphore(%arg6 : memref<!tpu.dma_semaphore, #tpu.memory_space<semaphore_mem>>) src(%dma_wait3A_52 : memref<32768xf32, #tpu.memory_space<hbm>>) dst(%arg5 : memref<32768xf32, #tpu.memory_space<vmem>>)
    %add3A_53 = arith.constant 98304 : i32
    %add3A_54 = arith.addi %mul3A_2, %add3A_53 : i32
    %dma_start3A_55 = tpu.memref_slice %arg3[%add3A_54] : memref<16777216xf32, #tpu.memory_space<hbm>> -> memref<32768xf32, #tpu.memory_space<hbm>>
    %dma_start3A_56 = tpu.memref_slice %arg3[%add3A_54] : memref<16777216xf32, #tpu.memory_space<hbm>> -> memref<32768xf32, #tpu.memory_space<hbm>>
    tpu.enqueue_dma source(%arg5 : memref<32768xf32, #tpu.memory_space<vmem>>) target(%dma_start3A_56 : memref<32768xf32, #tpu.memory_space<hbm>>) target_semaphore(%arg7 : memref<!tpu.dma_semaphore, #tpu.memory_space<semaphore_mem>>)
    %add3A_57 = arith.constant 65536 : i32
    %add3A_58 = arith.addi %mul3A_2, %add3A_57 : i32
    %dma_wait3A_59 = tpu.memref_slice %arg3[%add3A_58] : memref<16777216xf32, #tpu.memory_space<hbm>> -> memref<32768xf32, #tpu.memory_space<hbm>>
    %dma_wait3A_60 = tpu.memref_slice %arg3[%add3A_58] : memref<16777216xf32, #tpu.memory_space<hbm>> -> memref<32768xf32, #tpu.memory_space<hbm>>
    tpu.wait_dma2 semaphore(%arg7 : memref<!tpu.dma_semaphore, #tpu.memory_space<semaphore_mem>>) src(%arg4 : memref<32768xf32, #tpu.memory_space<vmem>>) dst(%dma_wait3A_60 : memref<32768xf32, #tpu.memory_space<hbm>>)
    %add3A_61 = arith.constant 131072 : i32
    %add3A_62 = arith.addi %mul3A_2, %add3A_61 : i32
    %dma_start3A_63 = tpu.memref_slice %arg2[%add3A_62] : memref<16777216xf32, #tpu.memory_space<hbm>> -> memref<32768xf32, #tpu.memory_space<hbm>>
    %dma_start3A_64 = tpu.memref_slice %arg2[%add3A_62] : memref<16777216xf32, #tpu.memory_space<hbm>> -> memref<32768xf32, #tpu.memory_space<hbm>>
    tpu.enqueue_dma source(%dma_start3A_64 : memref<32768xf32, #tpu.memory_space<hbm>>) target(%arg4 : memref<32768xf32, #tpu.memory_space<vmem>>) target_semaphore(%arg6 : memref<!tpu.dma_semaphore, #tpu.memory_space<semaphore_mem>>)
    %add3A_65 = arith.constant 131072 : i32
    %add3A_66 = arith.addi %mul3A_2, %add3A_65 : i32
    %dma_wait3A_67 = tpu.memref_slice %arg2[%add3A_66] : memref<16777216xf32, #tpu.memory_space<hbm>> -> memref<32768xf32, #tpu.memory_space<hbm>>
    %dma_wait3A_68 = tpu.memref_slice %arg2[%add3A_66] : memref<16777216xf32, #tpu.memory_space<hbm>> -> memref<32768xf32, #tpu.memory_space<hbm>>
    tpu.wait_dma2 semaphore(%arg6 : memref<!tpu.dma_semaphore, #tpu.memory_space<semaphore_mem>>) src(%dma_wait3A_68 : memref<32768xf32, #tpu.memory_space<hbm>>) dst(%arg4 : memref<32768xf32, #tpu.memory_space<vmem>>)
    %add3A_69 = arith.constant 131072 : i32
    %add3A_70 = arith.addi %mul3A_2, %add3A_69 : i32
    %dma_start3A_71 = tpu.memref_slice %arg3[%add3A_70] : memref<16777216xf32, #tpu.memory_space<hbm>> -> memref<32768xf32, #tpu.memory_space<hbm>>
    %dma_start3A_72 = tpu.memref_slice %arg3[%add3A_70] : memref<16777216xf32, #tpu.memory_space<hbm>> -> memref<32768xf32, #tpu.memory_space<hbm>>
    tpu.enqueue_dma source(%arg4 : memref<32768xf32, #tpu.memory_space<vmem>>) target(%dma_start3A_72 : memref<32768xf32, #tpu.memory_space<hbm>>) target_semaphore(%arg7 : memref<!tpu.dma_semaphore, #tpu.memory_space<semaphore_mem>>)
    %add3A_73 = arith.constant 98304 : i32
    %add3A_74 = arith.addi %mul3A_2, %add3A_73 : i32
    %dma_wait3A_75 = tpu.memref_slice %arg3[%add3A_74] : memref<16777216xf32, #tpu.memory_space<hbm>> -> memref<32768xf32, #tpu.memory_space<hbm>>
    %dma_wait3A_76 = tpu.memref_slice %arg3[%add3A_74] : memref<16777216xf32, #tpu.memory_space<hbm>> -> memref<32768xf32, #tpu.memory_space<hbm>>
    tpu.wait_dma2 semaphore(%arg7 : memref<!tpu.dma_semaphore, #tpu.memory_space<semaphore_mem>>) src(%arg5 : memref<32768xf32, #tpu.memory_space<vmem>>) dst(%dma_wait3A_76 : memref<32768xf32, #tpu.memory_space<hbm>>)
    %add3A_77 = arith.constant 163840 : i32
    %add3A_78 = arith.addi %mul3A_2, %add3A_77 : i32
    %dma_start3A_79 = tpu.memref_slice %arg2[%add3A_78] : memref<16777216xf32, #tpu.memory_space<hbm>> -> memref<32768xf32, #tpu.memory_space<hbm>>
    %dma_start3A_80 = tpu.memref_slice %arg2[%add3A_78] : memref<16777216xf32, #tpu.memory_space<hbm>> -> memref<32768xf32, #tpu.memory_space<hbm>>
    tpu.enqueue_dma source(%dma_start3A_80 : memref<32768xf32, #tpu.memory_space<hbm>>) target(%arg5 : memref<32768xf32, #tpu.memory_space<vmem>>) target_semaphore(%arg6 : memref<!tpu.dma_semaphore, #tpu.memory_space<semaphore_mem>>)
    %add3A_81 = arith.constant 163840 : i32
    %add3A_82 = arith.addi %mul3A_2, %add3A_81 : i32
    %dma_wait3A_83 = tpu.memref_slice %arg2[%add3A_82] : memref<16777216xf32, #tpu.memory_space<hbm>> -> memref<32768xf32, #tpu.memory_space<hbm>>
    %dma_wait3A_84 = tpu.memref_slice %arg2[%add3A_82] : memref<16777216xf32, #tpu.memory_space<hbm>> -> memref<32768xf32, #tpu.memory_space<hbm>>
    tpu.wait_dma2 semaphore(%arg6 : memref<!tpu.dma_semaphore, #tpu.memory_space<semaphore_mem>>) src(%dma_wait3A_84 : memref<32768xf32, #tpu.memory_space<hbm>>) dst(%arg5 : memref<32768xf32, #tpu.memory_space<vmem>>)
    %add3A_85 = arith.constant 163840 : i32
    %add3A_86 = arith.addi %mul3A_2, %add3A_85 : i32
    %dma_start3A_87 = tpu.memref_slice %arg3[%add3A_86] : memref<16777216xf32, #tpu.memory_space<hbm>> -> memref<32768xf32, #tpu.memory_space<hbm>>
    %dma_start3A_88 = tpu.memref_slice %arg3[%add3A_86] : memref<16777216xf32, #tpu.memory_space<hbm>> -> memref<32768xf32, #tpu.memory_space<hbm>>
    tpu.enqueue_dma source(%arg5 : memref<32768xf32, #tpu.memory_space<vmem>>) target(%dma_start3A_88 : memref<32768xf32, #tpu.memory_space<hbm>>) target_semaphore(%arg7 : memref<!tpu.dma_semaphore, #tpu.memory_space<semaphore_mem>>)
    %add3A_89 = arith.constant 131072 : i32
    %add3A_90 = arith.addi %mul3A_2, %add3A_89 : i32
    %dma_wait3A_91 = tpu.memref_slice %arg3[%add3A_90] : memref<16777216xf32, #tpu.memory_space<hbm>> -> memref<32768xf32, #tpu.memory_space<hbm>>
    %dma_wait3A_92 = tpu.memref_slice %arg3[%add3A_90] : memref<16777216xf32, #tpu.memory_space<hbm>> -> memref<32768xf32, #tpu.memory_space<hbm>>
    tpu.wait_dma2 semaphore(%arg7 : memref<!tpu.dma_semaphore, #tpu.memory_space<semaphore_mem>>) src(%arg4 : memref<32768xf32, #tpu.memory_space<vmem>>) dst(%dma_wait3A_92 : memref<32768xf32, #tpu.memory_space<hbm>>)
    %add3A_93 = arith.constant 196608 : i32
    %add3A_94 = arith.addi %mul3A_2, %add3A_93 : i32
    %dma_start3A_95 = tpu.memref_slice %arg2[%add3A_94] : memref<16777216xf32, #tpu.memory_space<hbm>> -> memref<32768xf32, #tpu.memory_space<hbm>>
    %dma_start3A_96 = tpu.memref_slice %arg2[%add3A_94] : memref<16777216xf32, #tpu.memory_space<hbm>> -> memref<32768xf32, #tpu.memory_space<hbm>>
    tpu.enqueue_dma source(%dma_start3A_96 : memref<32768xf32, #tpu.memory_space<hbm>>) target(%arg4 : memref<32768xf32, #tpu.memory_space<vmem>>) target_semaphore(%arg6 : memref<!tpu.dma_semaphore, #tpu.memory_space<semaphore_mem>>)
    %add3A_97 = arith.constant 196608 : i32
    %add3A_98 = arith.addi %mul3A_2, %add3A_97 : i32
    %dma_wait3A_99 = tpu.memref_slice %arg2[%add3A_98] : memref<16777216xf32, #tpu.memory_space<hbm>> -> memref<32768xf32, #tpu.memory_space<hbm>>
    %dma_wait3A_100 = tpu.memref_slice %arg2[%add3A_98] : memref<16777216xf32, #tpu.memory_space<hbm>> -> memref<32768xf32, #tpu.memory_space<hbm>>
    tpu.wait_dma2 semaphore(%arg6 : memref<!tpu.dma_semaphore, #tpu.memory_space<semaphore_mem>>) src(%dma_wait3A_100 : memref<32768xf32, #tpu.memory_space<hbm>>) dst(%arg4 : memref<32768xf32, #tpu.memory_space<vmem>>)
    %add3A_101 = arith.constant 196608 : i32
    %add3A_102 = arith.addi %mul3A_2, %add3A_101 : i32
    %dma_start3A_103 = tpu.memref_slice %arg3[%add3A_102] : memref<16777216xf32, #tpu.memory_space<hbm>> -> memref<32768xf32, #tpu.memory_space<hbm>>
    %dma_start3A_104 = tpu.memref_slice %arg3[%add3A_102] : memref<16777216xf32, #tpu.memory_space<hbm>> -> memref<32768xf32, #tpu.memory_space<hbm>>
    tpu.enqueue_dma source(%arg4 : memref<32768xf32, #tpu.memory_space<vmem>>) target(%dma_start3A_104 : memref<32768xf32, #tpu.memory_space<hbm>>) target_semaphore(%arg7 : memref<!tpu.dma_semaphore, #tpu.memory_space<semaphore_mem>>)
    %add3A_105 = arith.constant 163840 : i32
    %add3A_106 = arith.addi %mul3A_2, %add3A_105 : i32
    %dma_wait3A_107 = tpu.memref_slice %arg3[%add3A_106] : memref<16777216xf32, #tpu.memory_space<hbm>> -> memref<32768xf32, #tpu.memory_space<hbm>>
    %dma_wait3A_108 = tpu.memref_slice %arg3[%add3A_106] : memref<16777216xf32, #tpu.memory_space<hbm>> -> memref<32768xf32, #tpu.memory_space<hbm>>
    tpu.wait_dma2 semaphore(%arg7 : memref<!tpu.dma_semaphore, #tpu.memory_space<semaphore_mem>>) src(%arg5 : memref<32768xf32, #tpu.memory_space<vmem>>) dst(%dma_wait3A_108 : memref<32768xf32, #tpu.memory_space<hbm>>)
    %add3A_109 = arith.constant 229376 : i32
    %add3A_110 = arith.addi %mul3A_2, %add3A_109 : i32
    %dma_start3A_111 = tpu.memref_slice %arg2[%add3A_110] : memref<16777216xf32, #tpu.memory_space<hbm>> -> memref<32768xf32, #tpu.memory_space<hbm>>
    %dma_start3A_112 = tpu.memref_slice %arg2[%add3A_110] : memref<16777216xf32, #tpu.memory_space<hbm>> -> memref<32768xf32, #tpu.memory_space<hbm>>
    tpu.enqueue_dma source(%dma_start3A_112 : memref<32768xf32, #tpu.memory_space<hbm>>) target(%arg5 : memref<32768xf32, #tpu.memory_space<vmem>>) target_semaphore(%arg6 : memref<!tpu.dma_semaphore, #tpu.memory_space<semaphore_mem>>)
    %add3A_113 = arith.constant 229376 : i32
    %add3A_114 = arith.addi %mul3A_2, %add3A_113 : i32
    %dma_wait3A_115 = tpu.memref_slice %arg2[%add3A_114] : memref<16777216xf32, #tpu.memory_space<hbm>> -> memref<32768xf32, #tpu.memory_space<hbm>>
    %dma_wait3A_116 = tpu.memref_slice %arg2[%add3A_114] : memref<16777216xf32, #tpu.memory_space<hbm>> -> memref<32768xf32, #tpu.memory_space<hbm>>
    tpu.wait_dma2 semaphore(%arg6 : memref<!tpu.dma_semaphore, #tpu.memory_space<semaphore_mem>>) src(%dma_wait3A_116 : memref<32768xf32, #tpu.memory_space<hbm>>) dst(%arg5 : memref<32768xf32, #tpu.memory_space<vmem>>)
    %add3A_117 = arith.constant 229376 : i32
    %add3A_118 = arith.addi %mul3A_2, %add3A_117 : i32
    %dma_start3A_119 = tpu.memref_slice %arg3[%add3A_118] : memref<16777216xf32, #tpu.memory_space<hbm>> -> memref<32768xf32, #tpu.memory_space<hbm>>
    %dma_start3A_120 = tpu.memref_slice %arg3[%add3A_118] : memref<16777216xf32, #tpu.memory_space<hbm>> -> memref<32768xf32, #tpu.memory_space<hbm>>
    tpu.enqueue_dma source(%arg5 : memref<32768xf32, #tpu.memory_space<vmem>>) target(%dma_start3A_120 : memref<32768xf32, #tpu.memory_space<hbm>>) target_semaphore(%arg7 : memref<!tpu.dma_semaphore, #tpu.memory_space<semaphore_mem>>)
    %add3A_121 = arith.constant 196608 : i32
    %add3A_122 = arith.addi %mul3A_2, %add3A_121 : i32
    %dma_wait3A_123 = tpu.memref_slice %arg3[%add3A_122] : memref<16777216xf32, #tpu.memory_space<hbm>> -> memref<32768xf32, #tpu.memory_space<hbm>>
    %dma_wait3A_124 = tpu.memref_slice %arg3[%add3A_122] : memref<16777216xf32, #tpu.memory_space<hbm>> -> memref<32768xf32, #tpu.memory_space<hbm>>
    tpu.wait_dma2 semaphore(%arg7 : memref<!tpu.dma_semaphore, #tpu.memory_space<semaphore_mem>>) src(%arg4 : memref<32768xf32, #tpu.memory_space<vmem>>) dst(%dma_wait3A_124 : memref<32768xf32, #tpu.memory_space<hbm>>)
    %add3A_125 = arith.constant 262144 : i32
    %add3A_126 = arith.addi %mul3A_2, %add3A_125 : i32
    %dma_start3A_127 = tpu.memref_slice %arg2[%add3A_126] : memref<16777216xf32, #tpu.memory_space<hbm>> -> memref<32768xf32, #tpu.memory_space<hbm>>
    %dma_start3A_128 = tpu.memref_slice %arg2[%add3A_126] : memref<16777216xf32, #tpu.memory_space<hbm>> -> memref<32768xf32, #tpu.memory_space<hbm>>
    tpu.enqueue_dma source(%dma_start3A_128 : memref<32768xf32, #tpu.memory_space<hbm>>) target(%arg4 : memref<32768xf32, #tpu.memory_space<vmem>>) target_semaphore(%arg6 : memref<!tpu.dma_semaphore, #tpu.memory_space<semaphore_mem>>)
    %add3A_129 = arith.constant 262144 : i32
    %add3A_130 = arith.addi %mul3A_2, %add3A_129 : i32
    %dma_wait3A_131 = tpu.memref_slice %arg2[%add3A_130] : memref<16777216xf32, #tpu.memory_space<hbm>> -> memref<32768xf32, #tpu.memory_space<hbm>>
    %dma_wait3A_132 = tpu.memref_slice %arg2[%add3A_130] : memref<16777216xf32, #tpu.memory_space<hbm>> -> memref<32768xf32, #tpu.memory_space<hbm>>
    tpu.wait_dma2 semaphore(%arg6 : memref<!tpu.dma_semaphore, #tpu.memory_space<semaphore_mem>>) src(%dma_wait3A_132 : memref<32768xf32, #tpu.memory_space<hbm>>) dst(%arg4 : memref<32768xf32, #tpu.memory_space<vmem>>)
    %add3A_133 = arith.constant 262144 : i32
    %add3A_134 = arith.addi %mul3A_2, %add3A_133 : i32
    %dma_start3A_135 = tpu.memref_slice %arg3[%add3A_134] : memref<16777216xf32, #tpu.memory_space<hbm>> -> memref<32768xf32, #tpu.memory_space<hbm>>
    %dma_start3A_136 = tpu.memref_slice %arg3[%add3A_134] : memref<16777216xf32, #tpu.memory_space<hbm>> -> memref<32768xf32, #tpu.memory_space<hbm>>
    tpu.enqueue_dma source(%arg4 : memref<32768xf32, #tpu.memory_space<vmem>>) target(%dma_start3A_136 : memref<32768xf32, #tpu.memory_space<hbm>>) target_semaphore(%arg7 : memref<!tpu.dma_semaphore, #tpu.memory_space<semaphore_mem>>)
    %add3A_137 = arith.constant 229376 : i32
    %add3A_138 = arith.addi %mul3A_2, %add3A_137 : i32
    %dma_wait3A_139 = tpu.memref_slice %arg3[%add3A_138] : memref<16777216xf32, #tpu.memory_space<hbm>> -> memref<32768xf32, #tpu.memory_space<hbm>>
    %dma_wait3A_140 = tpu.memref_slice %arg3[%add3A_138] : memref<16777216xf32, #tpu.memory_space<hbm>> -> memref<32768xf32, #tpu.memory_space<hbm>>
    tpu.wait_dma2 semaphore(%arg7 : memref<!tpu.dma_semaphore, #tpu.memory_space<semaphore_mem>>) src(%arg5 : memref<32768xf32, #tpu.memory_space<vmem>>) dst(%dma_wait3A_140 : memref<32768xf32, #tpu.memory_space<hbm>>)
    %add3A_141 = arith.constant 294912 : i32
    %add3A_142 = arith.addi %mul3A_2, %add3A_141 : i32
    %dma_start3A_143 = tpu.memref_slice %arg2[%add3A_142] : memref<16777216xf32, #tpu.memory_space<hbm>> -> memref<32768xf32, #tpu.memory_space<hbm>>
    %dma_start3A_144 = tpu.memref_slice %arg2[%add3A_142] : memref<16777216xf32, #tpu.memory_space<hbm>> -> memref<32768xf32, #tpu.memory_space<hbm>>
    tpu.enqueue_dma source(%dma_start3A_144 : memref<32768xf32, #tpu.memory_space<hbm>>) target(%arg5 : memref<32768xf32, #tpu.memory_space<vmem>>) target_semaphore(%arg6 : memref<!tpu.dma_semaphore, #tpu.memory_space<semaphore_mem>>)
    %add3A_145 = arith.constant 294912 : i32
    %add3A_146 = arith.addi %mul3A_2, %add3A_145 : i32
    %dma_wait3A_147 = tpu.memref_slice %arg2[%add3A_146] : memref<16777216xf32, #tpu.memory_space<hbm>> -> memref<32768xf32, #tpu.memory_space<hbm>>
    %dma_wait3A_148 = tpu.memref_slice %arg2[%add3A_146] : memref<16777216xf32, #tpu.memory_space<hbm>> -> memref<32768xf32, #tpu.memory_space<hbm>>
    tpu.wait_dma2 semaphore(%arg6 : memref<!tpu.dma_semaphore, #tpu.memory_space<semaphore_mem>>) src(%dma_wait3A_148 : memref<32768xf32, #tpu.memory_space<hbm>>) dst(%arg5 : memref<32768xf32, #tpu.memory_space<vmem>>)
    %add3A_149 = arith.constant 294912 : i32
    %add3A_150 = arith.addi %mul3A_2, %add3A_149 : i32
    %dma_start3A_151 = tpu.memref_slice %arg3[%add3A_150] : memref<16777216xf32, #tpu.memory_space<hbm>> -> memref<32768xf32, #tpu.memory_space<hbm>>
    %dma_start3A_152 = tpu.memref_slice %arg3[%add3A_150] : memref<16777216xf32, #tpu.memory_space<hbm>> -> memref<32768xf32, #tpu.memory_space<hbm>>
    tpu.enqueue_dma source(%arg5 : memref<32768xf32, #tpu.memory_space<vmem>>) target(%dma_start3A_152 : memref<32768xf32, #tpu.memory_space<hbm>>) target_semaphore(%arg7 : memref<!tpu.dma_semaphore, #tpu.memory_space<semaphore_mem>>)
    %add3A_153 = arith.constant 262144 : i32
    %add3A_154 = arith.addi %mul3A_2, %add3A_153 : i32
    %dma_wait3A_155 = tpu.memref_slice %arg3[%add3A_154] : memref<16777216xf32, #tpu.memory_space<hbm>> -> memref<32768xf32, #tpu.memory_space<hbm>>
    %dma_wait3A_156 = tpu.memref_slice %arg3[%add3A_154] : memref<16777216xf32, #tpu.memory_space<hbm>> -> memref<32768xf32, #tpu.memory_space<hbm>>
    tpu.wait_dma2 semaphore(%arg7 : memref<!tpu.dma_semaphore, #tpu.memory_space<semaphore_mem>>) src(%arg4 : memref<32768xf32, #tpu.memory_space<vmem>>) dst(%dma_wait3A_156 : memref<32768xf32, #tpu.memory_space<hbm>>)
    %add3A_157 = arith.constant 327680 : i32
    %add3A_158 = arith.addi %mul3A_2, %add3A_157 : i32
    %dma_start3A_159 = tpu.memref_slice %arg2[%add3A_158] : memref<16777216xf32, #tpu.memory_space<hbm>> -> memref<32768xf32, #tpu.memory_space<hbm>>
    %dma_start3A_160 = tpu.memref_slice %arg2[%add3A_158] : memref<16777216xf32, #tpu.memory_space<hbm>> -> memref<32768xf32, #tpu.memory_space<hbm>>
    tpu.enqueue_dma source(%dma_start3A_160 : memref<32768xf32, #tpu.memory_space<hbm>>) target(%arg4 : memref<32768xf32, #tpu.memory_space<vmem>>) target_semaphore(%arg6 : memref<!tpu.dma_semaphore, #tpu.memory_space<semaphore_mem>>)
    %add3A_161 = arith.constant 327680 : i32
    %add3A_162 = arith.addi %mul3A_2, %add3A_161 : i32
    %dma_wait3A_163 = tpu.memref_slice %arg2[%add3A_162] : memref<16777216xf32, #tpu.memory_space<hbm>> -> memref<32768xf32, #tpu.memory_space<hbm>>
    %dma_wait3A_164 = tpu.memref_slice %arg2[%add3A_162] : memref<16777216xf32, #tpu.memory_space<hbm>> -> memref<32768xf32, #tpu.memory_space<hbm>>
    tpu.wait_dma2 semaphore(%arg6 : memref<!tpu.dma_semaphore, #tpu.memory_space<semaphore_mem>>) src(%dma_wait3A_164 : memref<32768xf32, #tpu.memory_space<hbm>>) dst(%arg4 : memref<32768xf32, #tpu.memory_space<vmem>>)
    %add3A_165 = arith.constant 327680 : i32
    %add3A_166 = arith.addi %mul3A_2, %add3A_165 : i32
    %dma_start3A_167 = tpu.memref_slice %arg3[%add3A_166] : memref<16777216xf32, #tpu.memory_space<hbm>> -> memref<32768xf32, #tpu.memory_space<hbm>>
    %dma_start3A_168 = tpu.memref_slice %arg3[%add3A_166] : memref<16777216xf32, #tpu.memory_space<hbm>> -> memref<32768xf32, #tpu.memory_space<hbm>>
    tpu.enqueue_dma source(%arg4 : memref<32768xf32, #tpu.memory_space<vmem>>) target(%dma_start3A_168 : memref<32768xf32, #tpu.memory_space<hbm>>) target_semaphore(%arg7 : memref<!tpu.dma_semaphore, #tpu.memory_space<semaphore_mem>>)
    %add3A_169 = arith.constant 294912 : i32
    %add3A_170 = arith.addi %mul3A_2, %add3A_169 : i32
    %dma_wait3A_171 = tpu.memref_slice %arg3[%add3A_170] : memref<16777216xf32, #tpu.memory_space<hbm>> -> memref<32768xf32, #tpu.memory_space<hbm>>
    %dma_wait3A_172 = tpu.memref_slice %arg3[%add3A_170] : memref<16777216xf32, #tpu.memory_space<hbm>> -> memref<32768xf32, #tpu.memory_space<hbm>>
    tpu.wait_dma2 semaphore(%arg7 : memref<!tpu.dma_semaphore, #tpu.memory_space<semaphore_mem>>) src(%arg5 : memref<32768xf32, #tpu.memory_space<vmem>>) dst(%dma_wait3A_172 : memref<32768xf32, #tpu.memory_space<hbm>>)
    %add3A_173 = arith.constant 360448 : i32
    %add3A_174 = arith.addi %mul3A_2, %add3A_173 : i32
    %dma_start3A_175 = tpu.memref_slice %arg2[%add3A_174] : memref<16777216xf32, #tpu.memory_space<hbm>> -> memref<32768xf32, #tpu.memory_space<hbm>>
    %dma_start3A_176 = tpu.memref_slice %arg2[%add3A_174] : memref<16777216xf32, #tpu.memory_space<hbm>> -> memref<32768xf32, #tpu.memory_space<hbm>>
    tpu.enqueue_dma source(%dma_start3A_176 : memref<32768xf32, #tpu.memory_space<hbm>>) target(%arg5 : memref<32768xf32, #tpu.memory_space<vmem>>) target_semaphore(%arg6 : memref<!tpu.dma_semaphore, #tpu.memory_space<semaphore_mem>>)
    %add3A_177 = arith.constant 360448 : i32
    %add3A_178 = arith.addi %mul3A_2, %add3A_177 : i32
    %dma_wait3A_179 = tpu.memref_slice %arg2[%add3A_178] : memref<16777216xf32, #tpu.memory_space<hbm>> -> memref<32768xf32, #tpu.memory_space<hbm>>
    %dma_wait3A_180 = tpu.memref_slice %arg2[%add3A_178] : memref<16777216xf32, #tpu.memory_space<hbm>> -> memref<32768xf32, #tpu.memory_space<hbm>>
    tpu.wait_dma2 semaphore(%arg6 : memref<!tpu.dma_semaphore, #tpu.memory_space<semaphore_mem>>) src(%dma_wait3A_180 : memref<32768xf32, #tpu.memory_space<hbm>>) dst(%arg5 : memref<32768xf32, #tpu.memory_space<vmem>>)
    %add3A_181 = arith.constant 360448 : i32
    %add3A_182 = arith.addi %mul3A_2, %add3A_181 : i32
    %dma_start3A_183 = tpu.memref_slice %arg3[%add3A_182] : memref<16777216xf32, #tpu.memory_space<hbm>> -> memref<32768xf32, #tpu.memory_space<hbm>>
    %dma_start3A_184 = tpu.memref_slice %arg3[%add3A_182] : memref<16777216xf32, #tpu.memory_space<hbm>> -> memref<32768xf32, #tpu.memory_space<hbm>>
    tpu.enqueue_dma source(%arg5 : memref<32768xf32, #tpu.memory_space<vmem>>) target(%dma_start3A_184 : memref<32768xf32, #tpu.memory_space<hbm>>) target_semaphore(%arg7 : memref<!tpu.dma_semaphore, #tpu.memory_space<semaphore_mem>>)
    %add3A_185 = arith.constant 327680 : i32
    %add3A_186 = arith.addi %mul3A_2, %add3A_185 : i32
    %dma_wait3A_187 = tpu.memref_slice %arg3[%add3A_186] : memref<16777216xf32, #tpu.memory_space<hbm>> -> memref<32768xf32, #tpu.memory_space<hbm>>
    %dma_wait3A_188 = tpu.memref_slice %arg3[%add3A_186] : memref<16777216xf32, #tpu.memory_space<hbm>> -> memref<32768xf32, #tpu.memory_space<hbm>>
    tpu.wait_dma2 semaphore(%arg7 : memref<!tpu.dma_semaphore, #tpu.memory_space<semaphore_mem>>) src(%arg4 : memref<32768xf32, #tpu.memory_space<vmem>>) dst(%dma_wait3A_188 : memref<32768xf32, #tpu.memory_space<hbm>>)
    %add3A_189 = arith.constant 393216 : i32
    %add3A_190 = arith.addi %mul3A_2, %add3A_189 : i32
    %dma_start3A_191 = tpu.memref_slice %arg2[%add3A_190] : memref<16777216xf32, #tpu.memory_space<hbm>> -> memref<32768xf32, #tpu.memory_space<hbm>>
    %dma_start3A_192 = tpu.memref_slice %arg2[%add3A_190] : memref<16777216xf32, #tpu.memory_space<hbm>> -> memref<32768xf32, #tpu.memory_space<hbm>>
    tpu.enqueue_dma source(%dma_start3A_192 : memref<32768xf32, #tpu.memory_space<hbm>>) target(%arg4 : memref<32768xf32, #tpu.memory_space<vmem>>) target_semaphore(%arg6 : memref<!tpu.dma_semaphore, #tpu.memory_space<semaphore_mem>>)
    %add3A_193 = arith.constant 393216 : i32
    %add3A_194 = arith.addi %mul3A_2, %add3A_193 : i32
    %dma_wait3A_195 = tpu.memref_slice %arg2[%add3A_194] : memref<16777216xf32, #tpu.memory_space<hbm>> -> memref<32768xf32, #tpu.memory_space<hbm>>
    %dma_wait3A_196 = tpu.memref_slice %arg2[%add3A_194] : memref<16777216xf32, #tpu.memory_space<hbm>> -> memref<32768xf32, #tpu.memory_space<hbm>>
    tpu.wait_dma2 semaphore(%arg6 : memref<!tpu.dma_semaphore, #tpu.memory_space<semaphore_mem>>) src(%dma_wait3A_196 : memref<32768xf32, #tpu.memory_space<hbm>>) dst(%arg4 : memref<32768xf32, #tpu.memory_space<vmem>>)
    %add3A_197 = arith.constant 393216 : i32
    %add3A_198 = arith.addi %mul3A_2, %add3A_197 : i32
    %dma_start3A_199 = tpu.memref_slice %arg3[%add3A_198] : memref<16777216xf32, #tpu.memory_space<hbm>> -> memref<32768xf32, #tpu.memory_space<hbm>>
    %dma_start3A_200 = tpu.memref_slice %arg3[%add3A_198] : memref<16777216xf32, #tpu.memory_space<hbm>> -> memref<32768xf32, #tpu.memory_space<hbm>>
    tpu.enqueue_dma source(%arg4 : memref<32768xf32, #tpu.memory_space<vmem>>) target(%dma_start3A_200 : memref<32768xf32, #tpu.memory_space<hbm>>) target_semaphore(%arg7 : memref<!tpu.dma_semaphore, #tpu.memory_space<semaphore_mem>>)
    %add3A_201 = arith.constant 360448 : i32
    %add3A_202 = arith.addi %mul3A_2, %add3A_201 : i32
    %dma_wait3A_203 = tpu.memref_slice %arg3[%add3A_202] : memref<16777216xf32, #tpu.memory_space<hbm>> -> memref<32768xf32, #tpu.memory_space<hbm>>
    %dma_wait3A_204 = tpu.memref_slice %arg3[%add3A_202] : memref<16777216xf32, #tpu.memory_space<hbm>> -> memref<32768xf32, #tpu.memory_space<hbm>>
    tpu.wait_dma2 semaphore(%arg7 : memref<!tpu.dma_semaphore, #tpu.memory_space<semaphore_mem>>) src(%arg5 : memref<32768xf32, #tpu.memory_space<vmem>>) dst(%dma_wait3A_204 : memref<32768xf32, #tpu.memory_space<hbm>>)
    %add3A_205 = arith.constant 425984 : i32
    %add3A_206 = arith.addi %mul3A_2, %add3A_205 : i32
    %dma_start3A_207 = tpu.memref_slice %arg2[%add3A_206] : memref<16777216xf32, #tpu.memory_space<hbm>> -> memref<32768xf32, #tpu.memory_space<hbm>>
    %dma_start3A_208 = tpu.memref_slice %arg2[%add3A_206] : memref<16777216xf32, #tpu.memory_space<hbm>> -> memref<32768xf32, #tpu.memory_space<hbm>>
    tpu.enqueue_dma source(%dma_start3A_208 : memref<32768xf32, #tpu.memory_space<hbm>>) target(%arg5 : memref<32768xf32, #tpu.memory_space<vmem>>) target_semaphore(%arg6 : memref<!tpu.dma_semaphore, #tpu.memory_space<semaphore_mem>>)
    %add3A_209 = arith.constant 425984 : i32
    %add3A_210 = arith.addi %mul3A_2, %add3A_209 : i32
    %dma_wait3A_211 = tpu.memref_slice %arg2[%add3A_210] : memref<16777216xf32, #tpu.memory_space<hbm>> -> memref<32768xf32, #tpu.memory_space<hbm>>
    %dma_wait3A_212 = tpu.memref_slice %arg2[%add3A_210] : memref<16777216xf32, #tpu.memory_space<hbm>> -> memref<32768xf32, #tpu.memory_space<hbm>>
    tpu.wait_dma2 semaphore(%arg6 : memref<!tpu.dma_semaphore, #tpu.memory_space<semaphore_mem>>) src(%dma_wait3A_212 : memref<32768xf32, #tpu.memory_space<hbm>>) dst(%arg5 : memref<32768xf32, #tpu.memory_space<vmem>>)
    %add3A_213 = arith.constant 425984 : i32
    %add3A_214 = arith.addi %mul3A_2, %add3A_213 : i32
    %dma_start3A_215 = tpu.memref_slice %arg3[%add3A_214] : memref<16777216xf32, #tpu.memory_space<hbm>> -> memref<32768xf32, #tpu.memory_space<hbm>>
    %dma_start3A_216 = tpu.memref_slice %arg3[%add3A_214] : memref<16777216xf32, #tpu.memory_space<hbm>> -> memref<32768xf32, #tpu.memory_space<hbm>>
    tpu.enqueue_dma source(%arg5 : memref<32768xf32, #tpu.memory_space<vmem>>) target(%dma_start3A_216 : memref<32768xf32, #tpu.memory_space<hbm>>) target_semaphore(%arg7 : memref<!tpu.dma_semaphore, #tpu.memory_space<semaphore_mem>>)
    %add3A_217 = arith.constant 393216 : i32
    %add3A_218 = arith.addi %mul3A_2, %add3A_217 : i32
    %dma_wait3A_219 = tpu.memref_slice %arg3[%add3A_218] : memref<16777216xf32, #tpu.memory_space<hbm>> -> memref<32768xf32, #tpu.memory_space<hbm>>
    %dma_wait3A_220 = tpu.memref_slice %arg3[%add3A_218] : memref<16777216xf32, #tpu.memory_space<hbm>> -> memref<32768xf32, #tpu.memory_space<hbm>>
    tpu.wait_dma2 semaphore(%arg7 : memref<!tpu.dma_semaphore, #tpu.memory_space<semaphore_mem>>) src(%arg4 : memref<32768xf32, #tpu.memory_space<vmem>>) dst(%dma_wait3A_220 : memref<32768xf32, #tpu.memory_space<hbm>>)
    %add3A_221 = arith.constant 458752 : i32
    %add3A_222 = arith.addi %mul3A_2, %add3A_221 : i32
    %dma_start3A_223 = tpu.memref_slice %arg2[%add3A_222] : memref<16777216xf32, #tpu.memory_space<hbm>> -> memref<32768xf32, #tpu.memory_space<hbm>>
    %dma_start3A_224 = tpu.memref_slice %arg2[%add3A_222] : memref<16777216xf32, #tpu.memory_space<hbm>> -> memref<32768xf32, #tpu.memory_space<hbm>>
    tpu.enqueue_dma source(%dma_start3A_224 : memref<32768xf32, #tpu.memory_space<hbm>>) target(%arg4 : memref<32768xf32, #tpu.memory_space<vmem>>) target_semaphore(%arg6 : memref<!tpu.dma_semaphore, #tpu.memory_space<semaphore_mem>>)
    %add3A_225 = arith.constant 458752 : i32
    %add3A_226 = arith.addi %mul3A_2, %add3A_225 : i32
    %dma_wait3A_227 = tpu.memref_slice %arg2[%add3A_226] : memref<16777216xf32, #tpu.memory_space<hbm>> -> memref<32768xf32, #tpu.memory_space<hbm>>
    %dma_wait3A_228 = tpu.memref_slice %arg2[%add3A_226] : memref<16777216xf32, #tpu.memory_space<hbm>> -> memref<32768xf32, #tpu.memory_space<hbm>>
    tpu.wait_dma2 semaphore(%arg6 : memref<!tpu.dma_semaphore, #tpu.memory_space<semaphore_mem>>) src(%dma_wait3A_228 : memref<32768xf32, #tpu.memory_space<hbm>>) dst(%arg4 : memref<32768xf32, #tpu.memory_space<vmem>>)
    %add3A_229 = arith.constant 458752 : i32
    %add3A_230 = arith.addi %mul3A_2, %add3A_229 : i32
    %dma_start3A_231 = tpu.memref_slice %arg3[%add3A_230] : memref<16777216xf32, #tpu.memory_space<hbm>> -> memref<32768xf32, #tpu.memory_space<hbm>>
    %dma_start3A_232 = tpu.memref_slice %arg3[%add3A_230] : memref<16777216xf32, #tpu.memory_space<hbm>> -> memref<32768xf32, #tpu.memory_space<hbm>>
    tpu.enqueue_dma source(%arg4 : memref<32768xf32, #tpu.memory_space<vmem>>) target(%dma_start3A_232 : memref<32768xf32, #tpu.memory_space<hbm>>) target_semaphore(%arg7 : memref<!tpu.dma_semaphore, #tpu.memory_space<semaphore_mem>>)
    %add3A_233 = arith.constant 425984 : i32
    %add3A_234 = arith.addi %mul3A_2, %add3A_233 : i32
    %dma_wait3A_235 = tpu.memref_slice %arg3[%add3A_234] : memref<16777216xf32, #tpu.memory_space<hbm>> -> memref<32768xf32, #tpu.memory_space<hbm>>
    %dma_wait3A_236 = tpu.memref_slice %arg3[%add3A_234] : memref<16777216xf32, #tpu.memory_space<hbm>> -> memref<32768xf32, #tpu.memory_space<hbm>>
    tpu.wait_dma2 semaphore(%arg7 : memref<!tpu.dma_semaphore, #tpu.memory_space<semaphore_mem>>) src(%arg5 : memref<32768xf32, #tpu.memory_space<vmem>>) dst(%dma_wait3A_236 : memref<32768xf32, #tpu.memory_space<hbm>>)
    %add3A_237 = arith.constant 491520 : i32
    %add3A_238 = arith.addi %mul3A_2, %add3A_237 : i32
    %dma_start3A_239 = tpu.memref_slice %arg2[%add3A_238] : memref<16777216xf32, #tpu.memory_space<hbm>> -> memref<32768xf32, #tpu.memory_space<hbm>>
    %dma_start3A_240 = tpu.memref_slice %arg2[%add3A_238] : memref<16777216xf32, #tpu.memory_space<hbm>> -> memref<32768xf32, #tpu.memory_space<hbm>>
    tpu.enqueue_dma source(%dma_start3A_240 : memref<32768xf32, #tpu.memory_space<hbm>>) target(%arg5 : memref<32768xf32, #tpu.memory_space<vmem>>) target_semaphore(%arg6 : memref<!tpu.dma_semaphore, #tpu.memory_space<semaphore_mem>>)
    %add3A_241 = arith.constant 491520 : i32
    %add3A_242 = arith.addi %mul3A_2, %add3A_241 : i32
    %dma_wait3A_243 = tpu.memref_slice %arg2[%add3A_242] : memref<16777216xf32, #tpu.memory_space<hbm>> -> memref<32768xf32, #tpu.memory_space<hbm>>
    %dma_wait3A_244 = tpu.memref_slice %arg2[%add3A_242] : memref<16777216xf32, #tpu.memory_space<hbm>> -> memref<32768xf32, #tpu.memory_space<hbm>>
    tpu.wait_dma2 semaphore(%arg6 : memref<!tpu.dma_semaphore, #tpu.memory_space<semaphore_mem>>) src(%dma_wait3A_244 : memref<32768xf32, #tpu.memory_space<hbm>>) dst(%arg5 : memref<32768xf32, #tpu.memory_space<vmem>>)
    %add3A_245 = arith.constant 491520 : i32
    %add3A_246 = arith.addi %mul3A_2, %add3A_245 : i32
    %dma_start3A_247 = tpu.memref_slice %arg3[%add3A_246] : memref<16777216xf32, #tpu.memory_space<hbm>> -> memref<32768xf32, #tpu.memory_space<hbm>>
    %dma_start3A_248 = tpu.memref_slice %arg3[%add3A_246] : memref<16777216xf32, #tpu.memory_space<hbm>> -> memref<32768xf32, #tpu.memory_space<hbm>>
    tpu.enqueue_dma source(%arg5 : memref<32768xf32, #tpu.memory_space<vmem>>) target(%dma_start3A_248 : memref<32768xf32, #tpu.memory_space<hbm>>) target_semaphore(%arg7 : memref<!tpu.dma_semaphore, #tpu.memory_space<semaphore_mem>>)
    %add3A_249 = arith.constant 491520 : i32
    %add3A_250 = arith.addi %mul3A_2, %add3A_249 : i32
    %dma_wait3A_251 = tpu.memref_slice %arg3[%add3A_250] : memref<16777216xf32, #tpu.memory_space<hbm>> -> memref<32768xf32, #tpu.memory_space<hbm>>
    %dma_wait3A_252 = tpu.memref_slice %arg3[%add3A_250] : memref<16777216xf32, #tpu.memory_space<hbm>> -> memref<32768xf32, #tpu.memory_space<hbm>>
    tpu.wait_dma2 semaphore(%arg7 : memref<!tpu.dma_semaphore, #tpu.memory_space<semaphore_mem>>) src(%arg5 : memref<32768xf32, #tpu.memory_space<vmem>>) dst(%dma_wait3A_252 : memref<32768xf32, #tpu.memory_space<hbm>>)
    return
  }
}

</mosaic_0001>

<sc_bundles>
// kernel: kernel.3.cloned.1.call-start
scs
__scs_entry_jumppad:
0x0: {  	(pc) =	sbr.rel $0x88, $3  }
0x1: {  	(tag) =	ssettag $0x0;
	lr =	simm.s32 $0x1  }
0x2: {  	[smem:$0x3FA0] =	sst lr;
	_ =	strace $0xD0000000  }
0x3: {  	_ = 	snop  }
0x4: {  	_ = 	snop  }
0x5: {  	_ = 	snop  }
0x6: {  	_ = 	snop  }
0x7: {  	_ = 	snop  }
__scs_overlays_trampoline_lowered:
0x8: {  	[smem:$0x3FAF] =	sst s0  }
0x9: {  	[smem:$0x3FB0] =	sst s1  }
0xa: {  	[smem:$0x3FB1] =	sst s2  }
0xb: {  	[smem:$0x3FB2] =	sst s3  }
0xc: {  	[smem:$0x3FB3] =	sst s4  }
0xd: {  	[smem:$0x3FB4] =	sst s5  }
0xe: {  	[smem:$0x3FB5] =	sst s6  }
0xf: {  	[smem:$0x3FB6] =	sst s7  }
0x10: {  	[smem:$0x3FB7] =	sst s8  }
0x11: {  	[smem:$0x3FB8] =	sst s9;
	s0 =	simm.s32 @!p0 $0x0  }
0x12: {  	s1 =	sld [smem:$0x3F9E];
	s0 =	simm.s32 @p0 $0x1  }
0x13: {  	[smem:$0x3FB9] =	sst s0;
	s0 =	simm.s32 @!p1 $0x0  }
0x14: {  	s2 =	sld [smem:$0x3F9D];
	s0 =	simm.s32 @p1 $0x1  }
0x15: {  	[smem:$0x3FBA] =	sst s0;
	s0 =	simm.s32 @!p2 $0x0  }
0x16: {  	s3 =	sld [smem:$0x3FDB];
	s0 =	simm.s32 @p2 $0x1  }
0x17: {  	s4 =	simm.s32 $0x1BF5;
	[smem:$0x3FBC] =	sst s0  }
0x18: {  	s0 =	sld [smem:$0x3F9F];
	_ =	swait.ge [sflag:s4], $0x0  }
0x19: {  	s7 =	sld [smem:$0x3FA0]  }
0x1a: {  	s8 =	sadd.s32 $0xFFFFE003, lr  }
0x1b: {  	s9 =	sadd.s32 $0xFFFFFEF7, lr;
	s5 =	simm.s32 $0xFFFFFFFF;
	p2 =	slt.u32 s8, $0xFFFFF086  }
0x1c: {  	p1 =	slt.u32 s9, $0xF7A;
	s5 =	simm.s32 @!p2 $0x0  }
0x1d: {  	s5 =	simm.s32 @p1 $0x1;
	p0 =	seq.s32 s7, s2  }
0x1e: {  	s7 =	smul.u32 @!p0 $0xF7A, s2;
	p2 =	seq.s32 @!p0 s5, $0x0  }
0x1f: {  	s9 =	smul.u32 $0xF7A, s1;
	s8 =	simm.s32 @!p0 $0x1BF5;
	p2 =	por !p2, p0  }
0x20: {  	[sflag:s8] =	ssyncset.s32 @!p0 $0xFFFFF086;
	s6 =	sadd.s32 @!p0 s3, s7;
	s7 =	simm.s32 @!p0 $0x108  }
0x21: {  	s3 =	sadd.s32 s3, s9;
	s6 =	sadd.s32 @!p0 $0x88, s6;
	s7 =	simm.s32 @p2 $0x1082  }
0x22: {  	[simem:s7], [sflag:s8] =	dma.local @!p0 [hbm:s6], $0xF7A  }
0x23: {  	s9 =	sor.u32 $0xD0000000, s2;
	s6 =	simm.s32 $0x108;
	_ =	swait.ge @!p0 [sflag:s8], $0x0  }
0x24: {  	s3 =	sadd.s32 $0x88, s3;
	s6 =	simm.s32 @!p1 $0x1082;
	[sflag:s4] =	ssyncset.s32 $0xFFFFF086  }
0x25: {  	[simem:s6], [sflag:s4] =	dma.local [hbm:s3], $0xF7A  }
0x26: {  	[smem:$0x3FA0] =	sst s1;
	(tag) =	ssettag s2;
	_ =	strace s9  }
0x27: {  	s1 =	sld [smem:$0x3FB0]  }
0x28: {  	s2 =	sld [smem:$0x3FB1]  }
0x29: {  	s4 =	sld [smem:$0x3FB3]  }
0x2a: {  	p0 =	seq.s32 s5, $0x0;
	s5 =	sld [smem:$0x3FB4]  }
0x2b: {  	s6 =	sld [smem:$0x3FB5]  }
0x2c: {  	s7 =	sld [smem:$0x3FB6]  }
0x2d: {  	s3 =	simm.s32 $0x108;
	s8 =	sld [smem:$0x3FB7]  }
0x2e: {  	s3 =	simm.s32 @!p0 $0x1082;
	s9 =	sld [smem:$0x3FB8]  }
0x2f: {  	lr =	sadd.s32 s0, s3;
	s0 =	sld [smem:$0x3FAF]  }
0x30: {  	s3 =	sld [smem:$0x3FB2]  }
0x31: {  	[smem:$0x3FBB] =	sst s10  }
0x32: {  	s10 =	sld [smem:$0x3FB9];
	_ =	sdelay $0x3  }
0x33: {  	p0 =	seq.s32 s10, $0x1;
	s10 =	sld [smem:$0x3FBB];
	_ =	sdelay $0x3  }
0x34: {  	[smem:$0x3FBB] =	sst s10  }
0x35: {  	s10 =	sld [smem:$0x3FBA];
	_ =	sdelay $0x3  }
0x36: {  	p1 =	seq.s32 s10, $0x1;
	s10 =	sld [smem:$0x3FBB];
	_ =	sdelay $0x3  }
0x37: {  	[smem:$0x3FBB] =	sst s10  }
0x38: {  	s10 =	sld [smem:$0x3FBC]  }
0x39: {  	_ = 	snop;
	(pc) =	sbr.ind lr, $3  }
0x3a: {  	_ = 	snop  }
0x3b: {  	_ = 	snop  }
0x3c: {  	p2 =	seq.s32 s10, $0x1;
	s10 =	sld [smem:$0x3FBB]  }
0x3d: {  	_ =	shalt  }
0x3e: {  	_ =	shalt  }
0x3f: {  	_ =	shalt  }
0x40: {  	_ =	shalt  }
0x41: {  	_ =	shalt  }
0x42: {  	_ =	shalt  }
0x43: {  	_ =	shalt  }
0x44: {  	_ =	shalt  }
0x45: {  	_ =	shalt  }
0x46: {  	_ =	shalt  }
0x47: {  	_ =	shalt  }
0x48: {  	_ =	shalt  }
0x49: {  	_ =	shalt  }
0x4a: {  	_ =	shalt  }
0x4b: {  	_ =	shalt  }
0x4c: {  	_ =	shalt  }
0x4d: {  	_ =	shalt  }
0x4e: {  	_ =	shalt  }
0x4f: {  	_ =	shalt  }
0x50: {  	_ =	shalt  }
0x51: {  	_ =	shalt  }
0x52: {  	_ =	shalt  }
0x53: {  	_ =	shalt  }
0x54: {  	_ =	shalt  }
0x55: {  	_ =	shalt  }
0x56: {  	_ =	shalt  }
0x57: {  	_ =	shalt  }
0x58: {  	_ =	shalt  }
0x59: {  	_ =	shalt  }
0x5a: {  	_ =	shalt  }
0x5b: {  	_ =	shalt  }
0x5c: {  	_ =	shalt  }
0x5d: {  	_ =	shalt  }
0x5e: {  	_ =	shalt  }
0x5f: {  	_ =	shalt  }
0x60: {  	_ =	shalt  }
0x61: {  	_ =	shalt  }
0x62: {  	_ =	shalt  }
0x63: {  	_ =	shalt  }
0x64: {  	_ =	shalt  }
0x65: {  	_ =	shalt  }
0x66: {  	_ =	shalt  }
0x67: {  	_ =	shalt  }
0x68: {  	_ =	shalt  }
0x69: {  	_ =	shalt  }
0x6a: {  	_ =	shalt  }
0x6b: {  	_ =	shalt  }
0x6c: {  	_ =	shalt  }
0x6d: {  	_ =	shalt  }
0x6e: {  	_ =	shalt  }
0x6f: {  	_ =	shalt  }
0x70: {  	_ =	shalt  }
0x71: {  	_ =	shalt  }
0x72: {  	_ =	shalt  }
0x73: {  	_ =	shalt  }
0x74: {  	_ =	shalt  }
0x75: {  	_ =	shalt  }
0x76: {  	_ =	shalt  }
0x77: {  	_ =	shalt  }
0x78: {  	_ =	shalt  }
0x79: {  	_ =	shalt  }
0x7a: {  	_ =	shalt  }
0x7b: {  	_ =	shalt  }
0x7c: {  	_ =	shalt  }
0x7d: {  	_ =	shalt  }
0x7e: {  	_ =	shalt  }
0x7f: {  	_ =	shalt  }
0x80: {  	_ =	shalt  }
0x81: {  	_ =	shalt  }
0x82: {  	_ =	shalt  }
0x83: {  	_ =	shalt  }
0x84: {  	_ =	shalt  }
0x85: {  	_ =	shalt  }
0x86: {  	_ =	shalt  }
0x87: {  	_ =	shalt  }
.Lfunc_end0:
.L_simem_size_0:
called_computation.1_lowered:
.L_overlay_start_0:
0x88: {  	s2 =	sld [smem:$0x3FD9]  }
0x89: {  	s3 =	sld [smem:$0x3FFE];
	_ =	sdelay $0x1  }
0x8a: {  	s1 =	srdreg.scid  }
0x8b: {  	s0 =	sand.u32 $0x1, s1  }
0x8c: {  	s17 =	sshll.u32 s0, $0xA;
	s2 =	sadd.s32 s3, s2  }
0x8d: {  	s2 =	sadd.s32 s2, s17  }
0x8e: {  	[smem:$0x3FC7] =	sst s2  }
0x8f: {  	_ = 	snop  }
0x90: {  	s2 =	sld [smem:$0x3FD0];
	(tm) =	ssettm $0x1  }
0x91: {  	s18 =	sld [smem:$0x3FFB];
	_ =	sdelay $0x3  }
0x92: {  	_ =	strace s18  }
0x93: {  	s3 =	sld [smem:$0x3FFC];
	_ =	sdelay $0x3  }
0x94: {  	_ =	strace s3  }
0x95: {  	s3 =	sld [smem:$0x3FFD];
	_ =	sdelay $0x3  }
0x96: {  	_ =	strace s3  }
0x97: {  	_ =	strace $0x8FFFFFFF  }
0x98: {  	s19 =	sld [smem:$0x3FDB];
	_ =	sdelay $0x1  }
0x99: {  	s4 =	simm.s32 $_scs_section_size  }
0x9a: {  	s5 =	simm.s32 $_size__tile_overlayer_lowered;
	s6 =	simm.s32 $_tile_overlayer_lowered  }
0x9b: {  	s22 =	simm.s32 $0x1BFF;
	s21 =	sshll.u32 s6, $0x1;
	s3 =	sadd.s32 s4, s19  }
0x9c: {  	s7 =	simm.s32 $0x0;
	s20 =	sshll.u32 s5, $0x1;
	s5 =	sadd.s32 s21, s3  }
0x9d: {  	[timem:s7], [sflag:s22] =	dma.local [hbm:s5], s20  }
0x9e: {  	_ =	swait.ge [sflag:s22], s20  }
0x9f: {  	s4 =	ssub.s32 $0x0, s20;
	[sflag:s22] =	ssyncset.done $0x0  }
0xa0: {  	[sflag:s22] =	ssyncadd.s32 s4;
	_ =	sdelay $0x1  }
0xa1: {  	s23 =	simm.s32 $0x1B8B  }
0xa2: {  	_ =	swait.ge [sflag:s23], $0x1  }
0xa3: {  	[sflag:s23] =	ssyncset.done $0x0  }
0xa4: {  	s25 =	simm.s32 $0x1B8E;
	s24 =	sld [smem:$0x3FFE];
	[sflag:s23] =	ssyncadd.s32 $0xFFFFFFFF  }
0xa5: {  	s26 =	simm.s32 $execute0_lowered;
	[smem:$0x3FD2] =	sst s25  }
0xa6: {  	s5 =	sshll.u32 s26, $0x1;
	_ =	strace $0x80000049;
	[dreg:$0x1] =	wrdreg $0xFFFFFFFF  }
0xa7: {  	s28 =	simm.s32 $_size_execute0_lowered;
	s3 =	sadd.s32 s3, s5;
	[dreg:$0x0] =	wrdreg $0x0  }
0xa8: {  	s5 =	sshll.u32 s28, $0x1;
	[dreg:$0x2] =	wrdreg s3  }
0xa9: {  	[dreg:$0x3] =	wrdreg s5  }
0xaa: {  	[dreg:$0x4] =	wrdreg $0xC0  }
0xab: {  	_ =	task [dreg:s7], $0x5FFFF  }
0xac: {  	[dreg:$0x1] =	wrdreg $0xFFFFFFFF  }
0xad: {  	[dreg:$0x0] =	wrdreg $0x60  }
0xae: {  	[dreg:$0x2] =	wrdreg s2  }
0xaf: {  	[dreg:$0x3] =	wrdreg s24  }
0xb0: {  	[dreg:$0x4] =	wrdreg $0x9  }
0xb1: {  	_ =	task.clear_ibuf [dreg:s7], $0x5FFFF;
	_ =	strace $0x90000049  }
0xb2: {  	s29 =	simm.s32 $0x9;
	_ =	strace $0x8000004B  }
0xb3: {  	_ =	swait.ge [sflag:s29], $0x1  }
0xb4: {  	[sflag:s29] =	ssyncadd.s32 $0xFFFFFFFF  }
0xb5: {  	_ =	strace $0x9000004B  }
0xb6: {  	_ =	sfence  }
0xb7: {  	s30 =	sld [smem:$0x0];
	_ =	sdelay $0x2  }
0xb8: {  	s31 =	sshll.u32 s1, $0xD;
	s1 =	sshrl.u32 s1, $0x2  }
0xb9: {  	s3 =	sand.u32 $0x4000, s31;
	s1 =	sadd.s32 s1, s30  }
0xba: {  	s0 =	sor.u32 s3, s0;
	s1 =	sshll.u32 s1, $0x11  }
0xbb: {  	s0 =	sor.u32 s1, s0  }
0xbc: {  	s0 =	sadd.s32 $0x8F2B, s0  }
0xbd: {  	[sflag:s0] =	ssyncadd.remote.s32 $0x1  }
0xbe: {  	_ =	sfence.sel $0xFFFF  }
0xbf: {  	[dreg:$0x0] =	wrdreg $0xFFFFFFFF;
	(pc) =	sbr.abs _section_cstart, $3  }
0xc0: {  	[dreg:$0x1] =	wrdreg $0xFFFFFFFF  }
0xc1: {  	_ =	task.clear_ibuf [dreg:s7], $0x2FFFF;
	_ =	strace $0x9FFFFFFF  }
0xc2: {  	(tm) =	ssettm $0x7FFFFFFF  }
0xc3: {  	_ =	shalt  }
tec
execute0_lowered:
.L_overlay_start_1:
0x0: {  	(tag) =	ssettag $0x1  }
0x1: {  	s30 =	rddreg [dreg:$0x0];
	s1 =	srdreg.scid  }
0x2: {  	s3 =	rddreg [dreg:$0x1];
	s4 =	stileid.u32;
	s0 =	sand.u32 $0x1, s1  }
0x3: {  	s2 =	simm.s32 $0x0;
	s12 =	sshll.u32 s4, $0x11;
	s13 =	sshll.u32 s0, $0x10  }
0x4: {  	[smem:$0x7FF] =	sst s2;
	s1 =	sor.u32 s13, s12  }
0x5: {  	s9 =	sadd.s32 $0x800, s3;
	_ =	strace $0x8000004A;
	s14 =	sadd.s32 s30, s1  }
0x6: {  	s15 =	sadd.s32 s9, s1;
	s4 =	sor.u32 $0x1000, s1;
	[dreg:$0x3] =	wrdreg s14  }
0x7: {  	[dreg:$0x4] =	wrdreg s15;
	s16 =	sadd.s32 s30, s4  }
0x8: {  	s18 =	sor.u32 $0x2000, s1;
	s17 =	sadd.s32 s9, s4;
	[dreg:$0x5] =	wrdreg s16  }
0x9: {  	s19 =	sadd.s32 s30, s18;
	[dreg:$0x6] =	wrdreg s17  }
0xa: {  	[dreg:$0x7] =	wrdreg s19  }
0xb: {  	s6 =	sor.u32 $0x3000, s1;
	s20 =	sadd.s32 s9, s18;
	s21 =	rddreg [dreg:$0x3]  }
0xc: {  	s22 =	sadd.s32 s30, s6;
	[dreg:$0x8] =	wrdreg s20  }
0xd: {  	s3 =	simm.s32 $0x1;
	[dreg:$0x9] =	wrdreg s22  }
0xe: {  	[tilespmem:s2], [sflag:$0x1] =	stream.linear.gather [hbm4b:s21+s2], $0x8000, $0x38;
	[tilespmem:$0x10000] =	vst v63  }
0xf: {  	_ =	swait.ge [sflag:s3], $0x8000  }
0x10: {  	[sflag:s3] =	ssyncset.done $0x0  }
0x11: {  	s23 =	rddreg [dreg:$0x4];
	[sflag:s3] =	ssyncadd.s32 $0xFFFF8000  }
0x12: {  	[hbm4b:s23+s2] =	stream.linear.scatter [tilespmem:s2], [sflag:$0x2], $0x8000, $0x38;
	[tilespmem:$0x10000] =	vst v63  }
0x13: {  	s4 =	simm.s32 $0x8000;
	s5 =	rddreg [dreg:$0x5]  }
0x14: {  	[tilespmem:s4], [sflag:$0x1] =	stream.linear.gather [hbm4b:s5+s2], $0x8000, $0x38;
	[tilespmem:$0x10000] =	vst v63  }
0x15: {  	_ =	swait.ge [sflag:s3], $0x8000  }
0x16: {  	[sflag:s3] =	ssyncset.done $0x0  }
0x17: {  	s5 =	simm.s32 $0x2;
	s7 =	rddreg [dreg:$0x6];
	[sflag:s3] =	ssyncadd.s32 $0xFFFF8000  }
0x18: {  	[hbm4b:s7+s2] =	stream.linear.scatter [tilespmem:s4], [sflag:$0x2], $0x8000, $0x38;
	[tilespmem:$0x10000] =	vst v63  }
0x19: {  	_ =	swait.ge [sflag:s5], $0x8000  }
0x1a: {  	[sflag:s5] =	ssyncset.done $0x0  }
0x1b: {  	s24 =	rddreg [dreg:$0x7];
	[sflag:s5] =	ssyncadd.s32 $0xFFFF8000  }
0x1c: {  	[tilespmem:s2], [sflag:$0x1] =	stream.linear.gather [hbm4b:s24+s2], $0x8000, $0x38;
	[tilespmem:$0x10000] =	vst v63  }
0x1d: {  	_ =	swait.ge [sflag:s3], $0x8000  }
0x1e: {  	[sflag:s3] =	ssyncset.done $0x0  }
0x1f: {  	s25 =	rddreg [dreg:$0x8];
	[sflag:s3] =	ssyncadd.s32 $0xFFFF8000  }
0x20: {  	[hbm4b:s25+s2] =	stream.linear.scatter [tilespmem:s2], [sflag:$0x2], $0x8000, $0x38;
	[tilespmem:$0x10000] =	vst v63  }
0x21: {  	_ =	swait.ge [sflag:s5], $0x8000  }
0x22: {  	[sflag:s5] =	ssyncset.done $0x0  }
0x23: {  	s26 =	rddreg [dreg:$0x9];
	[sflag:s5] =	ssyncadd.s32 $0xFFFF8000  }
0x24: {  	[tilespmem:s4], [sflag:$0x1] =	stream.linear.gather [hbm4b:s26+s2], $0x8000, $0x38;
	[tilespmem:$0x10000] =	vst v63  }
0x25: {  	_ =	swait.ge [sflag:s3], $0x8000  }
0x26: {  	s6 =	sadd.s32 s9, s6;
	[sflag:s3] =	ssyncset.done $0x0  }
0x27: {  	[dreg:$0xa] =	wrdreg s6;
	[sflag:s3] =	ssyncadd.s32 $0xFFFF8000  }
0x28: {  	[hbm4b:s6+s2] =	stream.linear.scatter [tilespmem:s4], [sflag:$0x2], $0x8000, $0x38;
	[tilespmem:$0x10000] =	vst v63  }
0x29: {  	_ =	swait.ge [sflag:s5], $0x8000  }
0x2a: {  	s8 =	sor.u32 $0x4000, s1;
	[sflag:s5] =	ssyncset.done $0x0  }
0x2b: {  	s7 =	sadd.s32 s30, s8;
	[sflag:s5] =	ssyncadd.s32 $0xFFFF8000  }
0x2c: {  	[tilespmem:s2], [sflag:$0x1] =	stream.linear.gather [hbm4b:s7+s2], $0x8000, $0x38;
	[tilespmem:$0x10000] =	vst v63  }
0x2d: {  	_ =	swait.ge [sflag:s3], $0x8000  }
0x2e: {  	[sflag:s3] =	ssyncset.done $0x0  }
0x2f: {  	s8 =	sadd.s32 s9, s8;
	[sflag:s3] =	ssyncadd.s32 $0xFFFF8000  }
0x30: {  	[hbm4b:s8+s2] =	stream.linear.scatter [tilespmem:s2], [sflag:$0x2], $0x8000, $0x38;
	[tilespmem:$0x10000] =	vst v63  }
0x31: {  	_ =	swait.ge [sflag:s5], $0x8000  }
0x32: {  	s10 =	sor.u32 $0x5000, s1;
	[sflag:s5] =	ssyncset.done $0x0  }
0x33: {  	s6 =	smov.u32 s9;
	s9 =	sadd.s32 s30, s10;
	[sflag:s5] =	ssyncadd.s32 $0xFFFF8000  }
0x34: {  	[tilespmem:s4], [sflag:$0x1] =	stream.linear.gather [hbm4b:s9+s2], $0x8000, $0x38;
	[tilespmem:$0x10000] =	vst v63  }
0x35: {  	_ =	swait.ge [sflag:s3], $0x8000  }
0x36: {  	[sflag:s3] =	ssyncset.done $0x0  }
0x37: {  	s10 =	sadd.s32 s6, s10;
	[sflag:s3] =	ssyncadd.s32 $0xFFFF8000  }
0x38: {  	[hbm4b:s10+s2] =	stream.linear.scatter [tilespmem:s4], [sflag:$0x2], $0x8000, $0x38;
	[tilespmem:$0x10000] =	vst v63  }
0x39: {  	_ =	swait.ge [sflag:s5], $0x8000  }
0x3a: {  	s12 =	sor.u32 $0x6000, s1;
	[sflag:s5] =	ssyncset.done $0x0  }
0x3b: {  	s11 =	sadd.s32 s30, s12;
	[sflag:s5] =	ssyncadd.s32 $0xFFFF8000  }
0x3c: {  	[tilespmem:s2], [sflag:$0x1] =	stream.linear.gather [hbm4b:s11+s2], $0x8000, $0x38;
	[tilespmem:$0x10000] =	vst v63  }
0x3d: {  	_ =	swait.ge [sflag:s3], $0x8000  }
0x3e: {  	[sflag:s3] =	ssyncset.done $0x0  }
0x3f: {  	s12 =	sadd.s32 s6, s12;
	[sflag:s3] =	ssyncadd.s32 $0xFFFF8000  }
0x40: {  	[hbm4b:s12+s2] =	stream.linear.scatter [tilespmem:s2], [sflag:$0x2], $0x8000, $0x38;
	[tilespmem:$0x10000] =	vst v63  }
0x41: {  	_ =	swait.ge [sflag:s5], $0x8000  }
0x42: {  	s14 =	sor.u32 $0x7000, s1;
	[sflag:s5] =	ssyncset.done $0x0  }
0x43: {  	s13 =	sadd.s32 s30, s14;
	[sflag:s5] =	ssyncadd.s32 $0xFFFF8000  }
0x44: {  	[tilespmem:s4], [sflag:$0x1] =	stream.linear.gather [hbm4b:s13+s2], $0x8000, $0x38;
	[tilespmem:$0x10000] =	vst v63  }
0x45: {  	_ =	swait.ge [sflag:s3], $0x8000  }
0x46: {  	[sflag:s3] =	ssyncset.done $0x0  }
0x47: {  	s14 =	sadd.s32 s6, s14;
	[sflag:s3] =	ssyncadd.s32 $0xFFFF8000  }
0x48: {  	[hbm4b:s14+s2] =	stream.linear.scatter [tilespmem:s4], [sflag:$0x2], $0x8000, $0x38;
	[tilespmem:$0x10000] =	vst v63  }
0x49: {  	_ =	swait.ge [sflag:s5], $0x8000  }
0x4a: {  	s16 =	sor.u32 $0x8000, s1;
	[sflag:s5] =	ssyncset.done $0x0  }
0x4b: {  	s15 =	sadd.s32 s30, s16;
	[sflag:s5] =	ssyncadd.s32 $0xFFFF8000  }
0x4c: {  	[tilespmem:s2], [sflag:$0x1] =	stream.linear.gather [hbm4b:s15+s2], $0x8000, $0x38;
	[tilespmem:$0x10000] =	vst v63  }
0x4d: {  	_ =	swait.ge [sflag:s3], $0x8000  }
0x4e: {  	[sflag:s3] =	ssyncset.done $0x0  }
0x4f: {  	s16 =	sadd.s32 s6, s16;
	[sflag:s3] =	ssyncadd.s32 $0xFFFF8000  }
0x50: {  	[hbm4b:s16+s2] =	stream.linear.scatter [tilespmem:s2], [sflag:$0x2], $0x8000, $0x38;
	[tilespmem:$0x10000] =	vst v63  }
0x51: {  	_ =	swait.ge [sflag:s5], $0x8000  }
0x52: {  	s18 =	sor.u32 $0x9000, s1;
	[sflag:s5] =	ssyncset.done $0x0  }
0x53: {  	s17 =	sadd.s32 s30, s18;
	[sflag:s5] =	ssyncadd.s32 $0xFFFF8000  }
0x54: {  	[tilespmem:s4], [sflag:$0x1] =	stream.linear.gather [hbm4b:s17+s2], $0x8000, $0x38;
	[tilespmem:$0x10000] =	vst v63  }
0x55: {  	_ =	swait.ge [sflag:s3], $0x8000  }
0x56: {  	[sflag:s3] =	ssyncset.done $0x0  }
0x57: {  	s18 =	sadd.s32 s6, s18;
	[sflag:s3] =	ssyncadd.s32 $0xFFFF8000  }
0x58: {  	[hbm4b:s18+s2] =	stream.linear.scatter [tilespmem:s4], [sflag:$0x2], $0x8000, $0x38;
	[tilespmem:$0x10000] =	vst v63  }
0x59: {  	_ =	swait.ge [sflag:s5], $0x8000  }
0x5a: {  	s20 =	sor.u32 $0xA000, s1;
	[sflag:s5] =	ssyncset.done $0x0  }
0x5b: {  	s19 =	sadd.s32 s30, s20;
	[sflag:s5] =	ssyncadd.s32 $0xFFFF8000  }
0x5c: {  	[tilespmem:s2], [sflag:$0x1] =	stream.linear.gather [hbm4b:s19+s2], $0x8000, $0x38;
	[tilespmem:$0x10000] =	vst v63  }
0x5d: {  	_ =	swait.ge [sflag:s3], $0x8000  }
0x5e: {  	[sflag:s3] =	ssyncset.done $0x0  }
0x5f: {  	s20 =	sadd.s32 s6, s20;
	[sflag:s3] =	ssyncadd.s32 $0xFFFF8000  }
0x60: {  	[hbm4b:s20+s2] =	stream.linear.scatter [tilespmem:s2], [sflag:$0x2], $0x8000, $0x38;
	[tilespmem:$0x10000] =	vst v63  }
0x61: {  	_ =	swait.ge [sflag:s5], $0x8000  }
0x62: {  	s22 =	sor.u32 $0xB000, s1;
	[sflag:s5] =	ssyncset.done $0x0  }
0x63: {  	s21 =	sadd.s32 s30, s22;
	[sflag:s5] =	ssyncadd.s32 $0xFFFF8000  }
0x64: {  	[tilespmem:s4], [sflag:$0x1] =	stream.linear.gather [hbm4b:s21+s2], $0x8000, $0x38;
	[tilespmem:$0x10000] =	vst v63  }
0x65: {  	_ =	swait.ge [sflag:s3], $0x8000  }
0x66: {  	[sflag:s3] =	ssyncset.done $0x0  }
0x67: {  	s22 =	sadd.s32 s6, s22;
	[sflag:s3] =	ssyncadd.s32 $0xFFFF8000  }
0x68: {  	[hbm4b:s22+s2] =	stream.linear.scatter [tilespmem:s4], [sflag:$0x2], $0x8000, $0x38;
	[tilespmem:$0x10000] =	vst v63  }
0x69: {  	_ =	swait.ge [sflag:s5], $0x8000  }
0x6a: {  	s24 =	sor.u32 $0xC000, s1;
	[sflag:s5] =	ssyncset.done $0x0  }
0x6b: {  	s23 =	sadd.s32 s30, s24;
	[sflag:s5] =	ssyncadd.s32 $0xFFFF8000  }
0x6c: {  	[tilespmem:s2], [sflag:$0x1] =	stream.linear.gather [hbm4b:s23+s2], $0x8000, $0x38;
	[tilespmem:$0x10000] =	vst v63  }
0x6d: {  	_ =	swait.ge [sflag:s3], $0x8000  }
0x6e: {  	[sflag:s3] =	ssyncset.done $0x0  }
0x6f: {  	s24 =	sadd.s32 s6, s24;
	[sflag:s3] =	ssyncadd.s32 $0xFFFF8000  }
0x70: {  	[hbm4b:s24+s2] =	stream.linear.scatter [tilespmem:s2], [sflag:$0x2], $0x8000, $0x38;
	[tilespmem:$0x10000] =	vst v63  }
0x71: {  	_ =	swait.ge [sflag:s5], $0x8000  }
0x72: {  	s26 =	sor.u32 $0xD000, s1;
	[sflag:s5] =	ssyncset.done $0x0  }
0x73: {  	s25 =	sadd.s32 s30, s26;
	[sflag:s5] =	ssyncadd.s32 $0xFFFF8000  }
0x74: {  	[tilespmem:s4], [sflag:$0x1] =	stream.linear.gather [hbm4b:s25+s2], $0x8000, $0x38;
	[tilespmem:$0x10000] =	vst v63  }
0x75: {  	_ =	swait.ge [sflag:s3], $0x8000  }
0x76: {  	[sflag:s3] =	ssyncset.done $0x0  }
0x77: {  	s26 =	sadd.s32 s6, s26;
	[sflag:s3] =	ssyncadd.s32 $0xFFFF8000  }
0x78: {  	[hbm4b:s26+s2] =	stream.linear.scatter [tilespmem:s4], [sflag:$0x2], $0x8000, $0x38;
	[tilespmem:$0x10000] =	vst v63  }
0x79: {  	_ =	swait.ge [sflag:s5], $0x8000  }
0x7a: {  	s29 =	sor.u32 $0xE000, s1;
	[sflag:s5] =	ssyncset.done $0x0  }
0x7b: {  	s28 =	sadd.s32 s30, s29;
	[sflag:s5] =	ssyncadd.s32 $0xFFFF8000  }
0x7c: {  	[tilespmem:s2], [sflag:$0x1] =	stream.linear.gather [hbm4b:s28+s2], $0x8000, $0x38;
	[tilespmem:$0x10000] =	vst v63  }
0x7d: {  	_ =	swait.ge [sflag:s3], $0x8000  }
0x7e: {  	s0 =	ssub.s32 $0x2, s0;
	[sflag:s3] =	ssyncset.done $0x0  }
0x7f: {  	s31 =	sshrl.u32 s0, $0x1;
	s29 =	sadd.s32 s6, s29;
	[sflag:s3] =	ssyncadd.s32 $0xFFFF8000  }
0x80: {  	[hbm4b:s29+s2] =	stream.linear.scatter [tilespmem:s2], [sflag:$0x2], $0x8000, $0x38;
	[tilespmem:$0x10000] =	vst v63  }
0x81: {  	s0 =	ssub.s32 s0, s31;
	_ =	swait.ge [sflag:s5], $0x8000  }
0x82: {  	s0 =	smax.u32 s0, $0x1;
	s1 =	sor.u32 $0xF000, s1;
	[sflag:s5] =	ssyncset.done $0x0  }
0x83: {  	p0 =	sne.s32 s0, $0x1;
	s30 =	sadd.s32 s30, s1;
	[sflag:s5] =	ssyncadd.s32 $0xFFFF8000  }
0x84: {  	[tilespmem:s4], [sflag:$0x1] =	stream.linear.gather [hbm4b:s30+s2], $0x8000, $0x38;
	[tilespmem:$0x10000] =	vst v63  }
.Ltmp0:
0x85: {  	_ =	swait.ge [sflag:s3], $0x8000;
	(pc) =	sbr.rel @!p0 .LBB2_2-.Ltmp0, $4  }
0x86: {  	[sflag:s3] =	ssyncset.done $0x0  }
0x87: {  	s31 =	sadd.s32 s6, s1;
	[sflag:s3] =	ssyncadd.s32 $0xFFFF8000  }
0x88: {  	[hbm4b:s31+s2] =	stream.linear.scatter [tilespmem:s4], [sflag:$0x2], $0x8000, $0x38;
	[tilespmem:$0x10000] =	vst v63  }
0x89: {  	s0 =	sadd.s32 $0xFFFFFFFF, s0;
	_ =	swait.ge [sflag:s5], $0x8000  }
.LBB2_1:
0x8a: {  	[sflag:s5] =	ssyncset.done $0x0  }
0x8b: {  	s1 =	rddreg [dreg:$0x3];
	[sflag:s5] =	ssyncadd.s32 $0xFFFF8000  }
0x8c: {  	[tilespmem:s2], [sflag:$0x1] =	stream.linear.gather [hbm4b:s1+s2], $0x8000, $0x38;
	[tilespmem:$0x10000] =	vst v63  }
0x8d: {  	_ =	swait.ge [sflag:s3], $0x8000  }
0x8e: {  	[sflag:s3] =	ssyncset.done $0x0  }
0x8f: {  	s1 =	rddreg [dreg:$0x4];
	[sflag:s3] =	ssyncadd.s32 $0xFFFF8000  }
0x90: {  	[hbm4b:s1+s2] =	stream.linear.scatter [tilespmem:s2], [sflag:$0x2], $0x8000, $0x38;
	[tilespmem:$0x10000] =	vst v63  }
0x91: {  	s6 =	rddreg [dreg:$0x5]  }
0x92: {  	[tilespmem:s4], [sflag:$0x1] =	stream.linear.gather [hbm4b:s6+s2], $0x8000, $0x38;
	[tilespmem:$0x10000] =	vst v63  }
0x93: {  	_ =	swait.ge [sflag:s3], $0x8000  }
0x94: {  	[sflag:s3] =	ssyncset.done $0x0  }
0x95: {  	s6 =	rddreg [dreg:$0x6];
	[sflag:s3] =	ssyncadd.s32 $0xFFFF8000  }
0x96: {  	[hbm4b:s6+s2] =	stream.linear.scatter [tilespmem:s4], [sflag:$0x2], $0x8000, $0x38;
	[tilespmem:$0x10000] =	vst v63  }
0x97: {  	_ =	swait.ge [sflag:s5], $0x8000  }
0x98: {  	[sflag:s5] =	ssyncset.done $0x0  }
0x99: {  	s6 =	rddreg [dreg:$0x7];
	[sflag:s5] =	ssyncadd.s32 $0xFFFF8000  }
0x9a: {  	[tilespmem:s2], [sflag:$0x1] =	stream.linear.gather [hbm4b:s6+s2], $0x8000, $0x38;
	[tilespmem:$0x10000] =	vst v63  }
0x9b: {  	_ =	swait.ge [sflag:s3], $0x8000  }
0x9c: {  	[sflag:s3] =	ssyncset.done $0x0  }
0x9d: {  	s6 =	rddreg [dreg:$0x8];
	[sflag:s3] =	ssyncadd.s32 $0xFFFF8000  }
0x9e: {  	[hbm4b:s6+s2] =	stream.linear.scatter [tilespmem:s2], [sflag:$0x2], $0x8000, $0x38;
	[tilespmem:$0x10000] =	vst v63  }
0x9f: {  	_ =	swait.ge [sflag:s5], $0x8000  }
0xa0: {  	[sflag:s5] =	ssyncset.done $0x0  }
0xa1: {  	s6 =	rddreg [dreg:$0x9];
	[sflag:s5] =	ssyncadd.s32 $0xFFFF8000  }
0xa2: {  	[tilespmem:s4], [sflag:$0x1] =	stream.linear.gather [hbm4b:s6+s2], $0x8000, $0x38;
	[tilespmem:$0x10000] =	vst v63  }
0xa3: {  	_ =	swait.ge [sflag:s3], $0x8000  }
0xa4: {  	[sflag:s3] =	ssyncset.done $0x0  }
0xa5: {  	s6 =	rddreg [dreg:$0xa];
	[sflag:s3] =	ssyncadd.s32 $0xFFFF8000  }
0xa6: {  	[hbm4b:s6+s2] =	stream.linear.scatter [tilespmem:s4], [sflag:$0x2], $0x8000, $0x38;
	[tilespmem:$0x10000] =	vst v63  }
0xa7: {  	_ =	swait.ge [sflag:s5], $0x8000  }
0xa8: {  	[sflag:s5] =	ssyncset.done $0x0  }
0xa9: {  	[sflag:s5] =	ssyncadd.s32 $0xFFFF8000  }
0xaa: {  	[tilespmem:s2], [sflag:$0x1] =	stream.linear.gather [hbm4b:s7+s2], $0x8000, $0x38;
	[tilespmem:$0x10000] =	vst v63  }
0xab: {  	_ =	swait.ge [sflag:s3], $0x8000  }
0xac: {  	[sflag:s3] =	ssyncset.done $0x0  }
0xad: {  	[sflag:s3] =	ssyncadd.s32 $0xFFFF8000  }
0xae: {  	[hbm4b:s8+s2] =	stream.linear.scatter [tilespmem:s2], [sflag:$0x2], $0x8000, $0x38;
	[tilespmem:$0x10000] =	vst v63  }
0xaf: {  	_ =	swait.ge [sflag:s5], $0x8000  }
0xb0: {  	[sflag:s5] =	ssyncset.done $0x0  }
0xb1: {  	[sflag:s5] =	ssyncadd.s32 $0xFFFF8000  }
0xb2: {  	[tilespmem:s4], [sflag:$0x1] =	stream.linear.gather [hbm4b:s9+s2], $0x8000, $0x38;
	[tilespmem:$0x10000] =	vst v63  }
0xb3: {  	_ =	swait.ge [sflag:s3], $0x8000  }
0xb4: {  	[sflag:s3] =	ssyncset.done $0x0  }
0xb5: {  	[sflag:s3] =	ssyncadd.s32 $0xFFFF8000  }
0xb6: {  	[hbm4b:s10+s2] =	stream.linear.scatter [tilespmem:s4], [sflag:$0x2], $0x8000, $0x38;
	[tilespmem:$0x10000] =	vst v63  }
0xb7: {  	_ =	swait.ge [sflag:s5], $0x8000  }
0xb8: {  	[sflag:s5] =	ssyncset.done $0x0  }
0xb9: {  	[sflag:s5] =	ssyncadd.s32 $0xFFFF8000  }
0xba: {  	[tilespmem:s2], [sflag:$0x1] =	stream.linear.gather [hbm4b:s11+s2], $0x8000, $0x38;
	[tilespmem:$0x10000] =	vst v63  }
0xbb: {  	_ =	swait.ge [sflag:s3], $0x8000  }
0xbc: {  	[sflag:s3] =	ssyncset.done $0x0  }
0xbd: {  	[sflag:s3] =	ssyncadd.s32 $0xFFFF8000  }
0xbe: {  	[hbm4b:s12+s2] =	stream.linear.scatter [tilespmem:s2], [sflag:$0x2], $0x8000, $0x38;
	[tilespmem:$0x10000] =	vst v63  }
0xbf: {  	_ =	swait.ge [sflag:s5], $0x8000  }
0xc0: {  	[sflag:s5] =	ssyncset.done $0x0  }
0xc1: {  	[sflag:s5] =	ssyncadd.s32 $0xFFFF8000  }
0xc2: {  	[tilespmem:s4], [sflag:$0x1] =	stream.linear.gather [hbm4b:s13+s2], $0x8000, $0x38;
	[tilespmem:$0x10000] =	vst v63  }
0xc3: {  	_ =	swait.ge [sflag:s3], $0x8000  }
0xc4: {  	[sflag:s3] =	ssyncset.done $0x0  }
0xc5: {  	[sflag:s3] =	ssyncadd.s32 $0xFFFF8000  }
0xc6: {  	[hbm4b:s14+s2] =	stream.linear.scatter [tilespmem:s4], [sflag:$0x2], $0x8000, $0x38;
	[tilespmem:$0x10000] =	vst v63  }
0xc7: {  	_ =	swait.ge [sflag:s5], $0x8000  }
0xc8: {  	[sflag:s5] =	ssyncset.done $0x0  }
0xc9: {  	[sflag:s5] =	ssyncadd.s32 $0xFFFF8000  }
0xca: {  	[tilespmem:s2], [sflag:$0x1] =	stream.linear.gather [hbm4b:s15+s2], $0x8000, $0x38;
	[tilespmem:$0x10000] =	vst v63  }
0xcb: {  	_ =	swait.ge [sflag:s3], $0x8000  }
0xcc: {  	[sflag:s3] =	ssyncset.done $0x0  }
0xcd: {  	[sflag:s3] =	ssyncadd.s32 $0xFFFF8000  }
0xce: {  	[hbm4b:s16+s2] =	stream.linear.scatter [tilespmem:s2], [sflag:$0x2], $0x8000, $0x38;
	[tilespmem:$0x10000] =	vst v63  }
0xcf: {  	_ =	swait.ge [sflag:s5], $0x8000  }
0xd0: {  	[sflag:s5] =	ssyncset.done $0x0  }
0xd1: {  	[sflag:s5] =	ssyncadd.s32 $0xFFFF8000  }
0xd2: {  	[tilespmem:s4], [sflag:$0x1] =	stream.linear.gather [hbm4b:s17+s2], $0x8000, $0x38;
	[tilespmem:$0x10000] =	vst v63  }
0xd3: {  	_ =	swait.ge [sflag:s3], $0x8000  }
0xd4: {  	[sflag:s3] =	ssyncset.done $0x0  }
0xd5: {  	[sflag:s3] =	ssyncadd.s32 $0xFFFF8000  }
0xd6: {  	[hbm4b:s18+s2] =	stream.linear.scatter [tilespmem:s4], [sflag:$0x2], $0x8000, $0x38;
	[tilespmem:$0x10000] =	vst v63  }
0xd7: {  	_ =	swait.ge [sflag:s5], $0x8000  }
0xd8: {  	[sflag:s5] =	ssyncset.done $0x0  }
0xd9: {  	[sflag:s5] =	ssyncadd.s32 $0xFFFF8000  }
0xda: {  	[tilespmem:s2], [sflag:$0x1] =	stream.linear.gather [hbm4b:s19+s2], $0x8000, $0x38;
	[tilespmem:$0x10000] =	vst v63  }
0xdb: {  	_ =	swait.ge [sflag:s3], $0x8000  }
0xdc: {  	[sflag:s3] =	ssyncset.done $0x0  }
0xdd: {  	[sflag:s3] =	ssyncadd.s32 $0xFFFF8000  }
0xde: {  	[hbm4b:s20+s2] =	stream.linear.scatter [tilespmem:s2], [sflag:$0x2], $0x8000, $0x38;
	[tilespmem:$0x10000] =	vst v63  }
0xdf: {  	_ =	swait.ge [sflag:s5], $0x8000  }
0xe0: {  	[sflag:s5] =	ssyncset.done $0x0  }
0xe1: {  	[sflag:s5] =	ssyncadd.s32 $0xFFFF8000  }
0xe2: {  	[tilespmem:s4], [sflag:$0x1] =	stream.linear.gather [hbm4b:s21+s2], $0x8000, $0x38;
	[tilespmem:$0x10000] =	vst v63  }
0xe3: {  	_ =	swait.ge [sflag:s3], $0x8000  }
0xe4: {  	[sflag:s3] =	ssyncset.done $0x0  }
0xe5: {  	[sflag:s3] =	ssyncadd.s32 $0xFFFF8000  }
0xe6: {  	[hbm4b:s22+s2] =	stream.linear.scatter [tilespmem:s4], [sflag:$0x2], $0x8000, $0x38;
	[tilespmem:$0x10000] =	vst v63  }
0xe7: {  	_ =	swait.ge [sflag:s5], $0x8000  }
0xe8: {  	[sflag:s5] =	ssyncset.done $0x0  }
0xe9: {  	[sflag:s5] =	ssyncadd.s32 $0xFFFF8000  }
0xea: {  	[tilespmem:s2], [sflag:$0x1] =	stream.linear.gather [hbm4b:s23+s2], $0x8000, $0x38;
	[tilespmem:$0x10000] =	vst v63  }
0xeb: {  	_ =	swait.ge [sflag:s3], $0x8000  }
0xec: {  	[sflag:s3] =	ssyncset.done $0x0  }
0xed: {  	[sflag:s3] =	ssyncadd.s32 $0xFFFF8000  }
0xee: {  	[hbm4b:s24+s2] =	stream.linear.scatter [tilespmem:s2], [sflag:$0x2], $0x8000, $0x38;
	[tilespmem:$0x10000] =	vst v63  }
0xef: {  	_ =	swait.ge [sflag:s5], $0x8000  }
0xf0: {  	[sflag:s5] =	ssyncset.done $0x0  }
0xf1: {  	[sflag:s5] =	ssyncadd.s32 $0xFFFF8000  }
0xf2: {  	[tilespmem:s4], [sflag:$0x1] =	stream.linear.gather [hbm4b:s25+s2], $0x8000, $0x38;
	[tilespmem:$0x10000] =	vst v63  }
0xf3: {  	_ =	swait.ge [sflag:s3], $0x8000  }
0xf4: {  	[sflag:s3] =	ssyncset.done $0x0  }
0xf5: {  	[sflag:s3] =	ssyncadd.s32 $0xFFFF8000  }
0xf6: {  	[hbm4b:s26+s2] =	stream.linear.scatter [tilespmem:s4], [sflag:$0x2], $0x8000, $0x38;
	[tilespmem:$0x10000] =	vst v63  }
0xf7: {  	_ =	swait.ge [sflag:s5], $0x8000  }
0xf8: {  	[sflag:s5] =	ssyncset.done $0x0  }
0xf9: {  	[sflag:s5] =	ssyncadd.s32 $0xFFFF8000  }
0xfa: {  	[tilespmem:s2], [sflag:$0x1] =	stream.linear.gather [hbm4b:s28+s2], $0x8000, $0x38;
	[tilespmem:$0x10000] =	vst v63  }
0xfb: {  	_ =	swait.ge [sflag:s3], $0x8000  }
0xfc: {  	[sflag:s3] =	ssyncset.done $0x0  }
0xfd: {  	[sflag:s3] =	ssyncadd.s32 $0xFFFF8000  }
0xfe: {  	[hbm4b:s29+s2] =	stream.linear.scatter [tilespmem:s2], [sflag:$0x2], $0x8000, $0x38;
	[tilespmem:$0x10000] =	vst v63  }
0xff: {  	_ =	swait.ge [sflag:s5], $0x8000  }
0x100: {  	[sflag:s5] =	ssyncset.done $0x0  }
0x101: {  	p0 =	sne.s32 s0, $0x1;
	[sflag:s5] =	ssyncadd.s32 $0xFFFF8000  }
0x102: {  	[tilespmem:s4], [sflag:$0x1] =	stream.linear.gather [hbm4b:s30+s2], $0x8000, $0x38;
	[tilespmem:$0x10000] =	vst v63  }
.Ltmp1:
0x103: {  	_ =	swait.ge [sflag:s3], $0x8000;
	(pc) =	sbr.rel @p0 .LBB2_1-.Ltmp1, $4  }
0x104: {  	[sflag:s3] =	ssyncset.done $0x0  }
0x105: {  	[sflag:s3] =	ssyncadd.s32 $0xFFFF8000  }
0x106: {  	[hbm4b:s31+s2] =	stream.linear.scatter [tilespmem:s4], [sflag:$0x2], $0x8000, $0x38;
	[tilespmem:$0x10000] =	vst v63  }
0x107: {  	s0 =	sadd.s32 $0xFFFFFFFF, s0;
	_ =	swait.ge [sflag:s5], $0x8000  }
.LBB2_2:
0x108: {  	[sflag:s5] =	ssyncset.done $0x0  }
0x109: {  	[sflag:s5] =	ssyncadd.s32 $0xFFFF8000  }
0x10a: {  	_ =	sfence.sel $0x180000  }
0x10b: {  	[bflag:$0x0] =	sbarrier.arrive $0xFFFF  }
0x10c: {  	_ =	strace $0x9000004A  }
0x10d: {  	s0 =	stileid.u32;
	[bflag:$0x2] =	sbarrier.arrive $0xFFFF  }
0x10e: {  	p0 =	sne.s32 s0, $0x0;
	s0 =	rddreg [dreg:$0x2]  }
0x10f: {  	s0 =	sadd.s32 @!p0 $0x100000, s0  }
0x110: {  	[sflag:s0] =	ssyncadd.tile.s32 @!p0 $0x1;
	_ =	shalt  }
.Lfunc_end2:
_tile_overlayer_lowered:
.L_overlay_start_2:
0x111: {  	(tag) =	ssettag $0x2  }
0x112: {  	s0 =	rddreg [dreg:$0x0];
	s2 =	stileid.u32  }
0x113: {  	s1 =	rddreg [dreg:$0x1];
	p0 =	sne.s32 s2, $0x0  }
0x114: {  	s3 =	rddreg [dreg:$0x2];
	[bflag:$0x3] =	sbarrier.arrive $0xFFFF;
	s2 =	simm.s32 @!p0 $0x1C03  }
0x115: {  	[timem:s3], [sflag:s2] =	dma.local @!p0 [hbm:s0], s1  }
0x116: {  	s0 =	simm.s32 @!p0 $0x3  }
0x117: {  	_ =	swait.ge @!p0 [sflag:s0], s1  }
0x118: {  	s1 =	ssub.s32 @!p0 $0x0, s1;
	[sflag:s0] =	ssyncset.done @!p0 $0x0  }
0x119: {  	[sflag:s0] =	ssyncadd.s32 @!p0 s1  }
0x11a: {  	[bflag:$0x3] =	sbarrier.arrive $0xFFFF  }
0x11b: {  	_ =	shalt  }

// kernel: sparse-core-data-format-call.cloned.1.call-start
scs
called_computation_lowered:
.L_overlay_start_0:
0x0: {  	s2 =	sld [smem:$0x3FD9]  }
0x1: {  	s3 =	sld [smem:$0x3FFE];
	_ =	sdelay $0x1  }
0x2: {  	s1 =	srdreg.scid  }
0x3: {  	s0 =	sand.u32 $0x1, s1  }
0x4: {  	s19 =	sshll.u32 s0, $0xA;
	s2 =	sadd.s32 s3, s2  }
0x5: {  	s2 =	sadd.s32 s2, s19  }
0x6: {  	[smem:$0x3FC7] =	sst s2  }
0x7: {  	_ = 	snop  }
0x8: {  	s2 =	sld [smem:$0x3FC9]  }
0x9: {  	s20 =	sld [smem:$0x3FD0];
	(tm) =	ssettm $0x1  }
0xa: {  	s4 =	sld [smem:$0x3FFB];
	_ =	sdelay $0x3  }
0xb: {  	_ =	strace s4  }
0xc: {  	s4 =	sld [smem:$0x3FFC];
	_ =	sdelay $0x3  }
0xd: {  	_ =	strace s4  }
0xe: {  	s4 =	sld [smem:$0x3FFD];
	_ =	sdelay $0x3  }
0xf: {  	_ =	strace s4  }
0x10: {  	_ =	strace $0x8FFFFFFF  }
0x11: {  	s21 =	sld [smem:$0x3FDB];
	_ =	sdelay $0x1  }
0x12: {  	s5 =	simm.s32 $_scs_section_size  }
0x13: {  	s6 =	simm.s32 $_size__tile_overlayer_lowered;
	s7 =	simm.s32 $_tile_overlayer_lowered  }
0x14: {  	s24 =	simm.s32 $0x1BFF;
	s23 =	sshll.u32 s7, $0x1;
	s4 =	sadd.s32 s5, s21  }
0x15: {  	s8 =	simm.s32 $0x0;
	s22 =	sshll.u32 s6, $0x1;
	s6 =	sadd.s32 s23, s4  }
0x16: {  	[timem:s8], [sflag:s24] =	dma.local [hbm:s6], s22  }
0x17: {  	_ =	swait.ge [sflag:s24], s22  }
0x18: {  	s5 =	ssub.s32 $0x0, s22;
	[sflag:s24] =	ssyncset.done $0x0  }
0x19: {  	[sflag:s24] =	ssyncadd.s32 s5;
	_ =	sdelay $0x1  }
0x1a: {  	s25 =	simm.s32 $0x1B8B  }
0x1b: {  	_ =	swait.ge [sflag:s25], $0x1  }
0x1c: {  	[sflag:s25] =	ssyncset.done $0x0  }
0x1d: {  	s26 =	simm.s32 $0x1B8E;
	[sflag:s25] =	ssyncadd.s32 $0xFFFFFFFF  }
0x1e: {  	s27 =	simm.s32 $execute0_lowered;
	[smem:$0x3FD2] =	sst s26  }
0x1f: {  	s5 =	sshll.u32 s27, $0x1;
	_ =	strace $0x80000046;
	[dreg:$0x1] =	wrdreg $0xFFFFFFFF  }
0x20: {  	s28 =	simm.s32 $_size_execute0_lowered;
	s4 =	sadd.s32 s4, s5;
	[dreg:$0x0] =	wrdreg $0x0  }
0x21: {  	s5 =	sshll.u32 s28, $0x1;
	[dreg:$0x2] =	wrdreg s4  }
0x22: {  	[dreg:$0x3] =	wrdreg s5  }
0x23: {  	[dreg:$0x4] =	wrdreg $0xC0  }
0x24: {  	_ =	task [dreg:s8], $0x5FFFF  }
0x25: {  	[dreg:$0x1] =	wrdreg $0xFFFFFFFF  }
0x26: {  	[dreg:$0x0] =	wrdreg $0x60  }
0x27: {  	[dreg:$0x2] =	wrdreg s2  }
0x28: {  	[dreg:$0x3] =	wrdreg s20  }
0x29: {  	[dreg:$0x4] =	wrdreg $0x9  }
0x2a: {  	_ =	task.clear_ibuf [dreg:s8], $0x5FFFF;
	_ =	strace $0x90000046  }
0x2b: {  	s29 =	simm.s32 $0x9;
	_ =	strace $0x80000048  }
0x2c: {  	_ =	swait.ge [sflag:s29], $0x1  }
0x2d: {  	[sflag:s29] =	ssyncadd.s32 $0xFFFFFFFF  }
0x2e: {  	_ =	strace $0x90000048  }
0x2f: {  	_ =	sfence  }
0x30: {  	s30 =	sld [smem:$0x0];
	_ =	sdelay $0x2  }
0x31: {  	s31 =	sshll.u32 s1, $0xD;
	s1 =	sshrl.u32 s1, $0x2  }
0x32: {  	s3 =	sand.u32 $0x4000, s31;
	s1 =	sadd.s32 s1, s30  }
0x33: {  	s0 =	sor.u32 s3, s0;
	s1 =	sshll.u32 s1, $0x11  }
0x34: {  	s0 =	sor.u32 s1, s0  }
0x35: {  	s0 =	sadd.s32 $0x8F2B, s0  }
0x36: {  	[sflag:s0] =	ssyncadd.remote.s32 $0x1  }
0x37: {  	_ =	sfence.sel $0xFFFF  }
0x38: {  	[dreg:$0x0] =	wrdreg $0xFFFFFFFF;
	(pc) =	sbr.abs _section_cstart, $3  }
0x39: {  	[dreg:$0x1] =	wrdreg $0xFFFFFFFF  }
0x3a: {  	_ =	task.clear_ibuf [dreg:s8], $0x2FFFF;
	_ =	strace $0x9FFFFFFF  }
0x3b: {  	(tm) =	ssettm $0x7FFFFFFF  }
tec
execute0_lowered:
.L_overlay_start_1:
0x0: {  	(tag) =	ssettag $0x1  }
0x1: {  	s2 =	rddreg [dreg:$0x0]  }
0x2: {  	s3 =	rddreg [dreg:$0x1]  }
0x3: {  	s0 =	rddreg [dreg:$0x2];
	_ =	strace $0x80000047  }
0x4: {  	s4 =	srdreg.scid;
	s1 =	stileid.u32;
	s6 =	simm.s32 $0x2  }
.Ltmp0:
0x5: {  	s11 =	simm.s32 $0x0;
	p0 =	por $0x0, $0x0;
	(pc) =	sbr.rel .LBB1_1-.Ltmp0, $4  }
0x6: {  	s7 =	simm.s32 $0x1000;
	s12 =	simm.s32 $0x0;
	s5 =	sshll.u32 s4, $0x4  }
0x7: {  	s9 =	simm.s32 $0x0;
	s4 =	simm.s32 $0x1;
	s5 =	sand.u32 $0x10, s5  }
0x8: {  	s8 =	simm.s32 $0x0;
	[sflag:s4] =	ssyncpa.u1 $0x0;
	s5 =	sor.u32 s1, s5  }
0x9: {  	[sflag:s6] =	ssyncpa.u1 $0x0;
	s6 =	simm.s32 $0x800;
	s10 =	smov.u32 s5  }
.LBB1_7:
0xa: {  	s13 =	sadd.s32 $0x10, s9  }
0xb: {  	s11 =	sadd.s32 $0x20, s10;
	s15 =	smov.u32 s10;
	p2 =	sgt.s32 s13, $0x1F  }
0xc: {  	p1 =	slt.u32 s8, $0x2;
	s15 =	smov.u32 @p2 s11  }
0xd: {  	s8 =	sadd.s32 $0x1, s8;
	s13 =	simm.s32 @p2 $0x0;
	p2 =	sgt.s32 s15, $0x1FF  }
0xe: {  	s15 =	smov.u32 @p2 s5;
	p2 =	sne.s32 s8, $0x22  }
.Ltmp1:
0xf: {  	_ = 	snop;
	(pc) =	sbr.rel @!p2 .LBB1_8-.Ltmp1, $4  }
0x10: {  	s14 =	simm.s32 @!p1 $0x2  }
0x11: {  	s12 =	smov.u32 s10;
	_ =	swait.ge @!p1 [sflag:s14], $0x4000  }
0x12: {  	p0 =	por !p0, !p0;
	s11 =	smov.u32 s9;
	[sflag:s14] =	ssyncset.done @!p1 $0x0  }
0x13: {  	s9 =	smov.u32 s13;
	[sflag:s14] =	ssyncadd.s32 @!p1 $0xFFFFC000;
	s10 =	smov.u32 s15  }
.LBB1_1:
0x14: {  	p1 =	sgt.u32 s8, $0x1F  }
0x15: {  	s13 =	sxor.u32 @!p1 $0xFFFFFFFF, s8;
	s14 =	sshll.u32 @!p1 s10, $0xC  }
0x16: {  	s15 =	sshll.u32 @!p1 s9, $0x7;
	s13 =	sshll.u32 @!p1 s13, $0xE;
	s14 =	sadd.s32 @!p1 s2, s14  }
0x17: {  	s13 =	sand.u32 @!p1 $0x4000, s13;
	s14 =	sadd.s32 @!p1 s15, s14;
	s15 =	simm.s32 @!p1 $0x0  }
0x18: {  	[tilespmem:s13], [sflag:$0x1] =	stream.linear.gather @!p1 [hbm4b:s14+s15], $0x4000, $0x38;
	[tilespmem:$0x10000] =	vst v63  }
0x19: {  	p1 =	seq.s32 s8, $0x0  }
0x1a: {  	p2 =	seq.s32 @!p1 s8, $0x21  }
0x1b: {  	p1 =	por p1, p2  }
.Ltmp2:
0x1c: {  	_ = 	snop;
	(pc) =	sbr.rel @p1 .LBB1_7-.Ltmp2, $1  }
0x1d: {  	_ =	sdelay $0x3  }
0x1e: {  	s13 =	simm.s32 $0x1;
	_ =	swait.ge [sflag:s4], $0x4000;
	s16 =	sshll.u32 s8, $0xE  }
0x1f: {  	s13 =	simm.s32 @!p0 $0x0;
	[sflag:s4] =	ssyncset.done $0x0;
	s31 =	sand.u32 $0x4000, s16  }
0x20: {  	s16 =	simm.s32 $0x0;
	s14 =	sshll.u32 s13, $0xE;
	[sflag:s4] =	ssyncadd.s32 $0xFFFFC000  }
0x21: {  	s13 =	sor.u32 $0x8040, s14;
	s15 =	sor.u32 $0x40, s14;
	s14 =	sor.u32 $0x8000, s31  }
.LBB1_3:
0x22: {  	v0 =	vmov s15;
	_ =	sdelay $0x3  }
0x23: {  	s18 =	simm.s32 $0x0  }
0x24: {  	v6 =	vld.idx.msk [tilespmem:v0+s18+$0x30 ss:$0x1], $0xffff  }
0x25: {  	v7 =	vld.idx.msk [tilespmem:v0+s18+$0xFFFFFFC0 ss:$0x1], $0xffff  }
0x26: {  	v5 =	vld.idx.msk [tilespmem:v0+s18+$0xFFFFFFD0 ss:$0x1], $0xffff  }
0x27: {  	v4 =	vld.idx.msk [tilespmem:v0+s18+$0xFFFFFFE0 ss:$0x1], $0xffff  }
0x28: {  	v3 =	vld.idx.msk [tilespmem:v0+s18+$0xFFFFFFF0 ss:$0x1], $0xffff  }
0x29: {  	v1 =	vld.idx.msk [tilespmem:v0+s18+$0x0 ss:$0x1], $0xffff  }
0x2a: {  	v2 =	vld.idx.msk [tilespmem:v0+s18+$0x10 ss:$0x1], $0xffff;
	[tilespmem:s13+$0x30] =	vst v6  }
0x2b: {  	s17 =	simm.s32 $0x80;
	s19 =	simm.s32 $0x400;
	[tilespmem:s13+$0xFFFFFFC0] =	vst v7;
	v6 =	vld.idx.msk [tilespmem:v0+s18+$0x20 ss:$0x1], $0xffff;
	s18 =	smov.u32 s13  }
.LBB1_4:
0x2c: {  	p1 =	sne.s32 s19, $0xE00;
	v7 =	vld.idx.msk [tilespmem:v0+s17+$0x30 ss:$0x1], $0xffff;
	[tilespmem:s18+$0xFFFFFFD0] =	vst v5  }
0x2d: {  	v8 =	vld.idx.msk [tilespmem:v0+s17+$0xFFFFFFC0 ss:$0x1], $0xffff;
	[tilespmem:s18+$0xFFFFFFE0] =	vst v4  }
0x2e: {  	v5 =	vld.idx.msk [tilespmem:v0+s17+$0xFFFFFFD0 ss:$0x1], $0xffff;
	[tilespmem:s18+$0xFFFFFFF0] =	vst v3  }
.Ltmp3:
0x2f: {  	v4 =	vld.idx.msk [tilespmem:v0+s17+$0xFFFFFFE0 ss:$0x1], $0xffff;
	[tilespmem:s18+$0x0] =	vst v1;
	(pc) =	sbr.rel @p1 .LBB1_4-.Ltmp3, $4  }
0x30: {  	v3 =	vld.idx.msk [tilespmem:v0+s17+$0xFFFFFFF0 ss:$0x1], $0xffff;
	[tilespmem:s18+$0x10] =	vst v2  }
0x31: {  	v1 =	vld.idx.msk [tilespmem:v0+s17+$0x0 ss:$0x1], $0xffff;
	[tilespmem:s18+$0x20] =	vst v6;
	s18 =	sadd.s32 $0x800, s18  }
0x32: {  	v2 =	vld.idx.msk [tilespmem:v0+s17+$0x10 ss:$0x1], $0xffff;
	[tilespmem:s18+$0x30] =	vst v7  }
0x33: {  	[tilespmem:s18+$0xFFFFFFC0] =	vst v8;
	v6 =	vld.idx.msk [tilespmem:v0+s17+$0x20 ss:$0x1], $0xffff;
	s17 =	sshra.s32 s19, $0x2;
	s19 =	sadd.s32 $0x200, s19  }
0x34: {  	_ =	sdelay $0x2  }
0x35: {  	[tilespmem:s18+$0xFFFFFFD0] =	vst v5  }
0x36: {  	v56 =	vld.idx.msk [tilespmem:v0+s17+$0x30 ss:$0x1], $0xffff;
	[tilespmem:s18+$0xFFFFFFE0] =	vst v4  }
0x37: {  	v57 =	vld.idx.msk [tilespmem:v0+s17+$0xFFFFFFC0 ss:$0x1], $0xffff;
	[tilespmem:s18+$0xFFFFFFF0] =	vst v3  }
0x38: {  	v58 =	vld.idx.msk [tilespmem:v0+s17+$0xFFFFFFD0 ss:$0x1], $0xffff;
	[tilespmem:s18+$0x0] =	vst v1  }
0x39: {  	v59 =	vld.idx.msk [tilespmem:v0+s17+$0xFFFFFFE0 ss:$0x1], $0xffff;
	[tilespmem:s18+$0x10] =	vst v2  }
0x3a: {  	v60 =	vld.idx.msk [tilespmem:v0+s17+$0xFFFFFFF0 ss:$0x1], $0xffff;
	s31 =	sadd.s32 $0x800, s18;
	[tilespmem:s18+$0x20] =	vst v6  }
0x3b: {  	v61 =	vld.idx.msk [tilespmem:v0+s17+$0x0 ss:$0x1], $0xffff;
	[tilespmem:s31+$0x30] =	vst v56  }
0x3c: {  	v62 =	vld.idx.msk [tilespmem:v0+s17+$0x10 ss:$0x1], $0xffff;
	s16 =	sadd.s32 $0x1, s16;
	[tilespmem:s31+$0xFFFFFFC0] =	vst v57  }
0x3d: {  	v63 =	vld.idx.msk [tilespmem:v0+s17+$0x20 ss:$0x1], $0xffff;
	p1 =	sne.s32 s16, $0x10;
	[tilespmem:s31+$0xFFFFFFD0] =	vst v58  }
.Ltmp4:
0x3e: {  	[tilespmem:s31+$0xFFFFFFE0] =	vst v59;
	(pc) =	sbr.rel @p1 .LBB1_3-.Ltmp4, $4  }
0x3f: {  	[tilespmem:s31+$0xFFFFFFF0] =	vst v60  }
0x40: {  	[tilespmem:s31+$0x0] =	vst v61  }
0x41: {  	[tilespmem:s31+$0x10] =	vst v62  }
0x42: {  	s13 =	sadd.s32 $0x80, s13;
	s15 =	sadd.s32 $0x400, s15;
	[tilespmem:s31+$0x20] =	vst v63  }
.Ltmp5:
0x43: {  	(pc) =	sbr.rel .LBB1_7-.Ltmp5, $4  }
0x44: {  	s12 =	sshll.u32 s12, $0xC;
	s11 =	sshll.u32 s11, $0x4  }
0x45: {  	s11 =	sand.u32 $0x1F0, s11;
	s12 =	sadd.s32 s3, s12  }
0x46: {  	s11 =	sadd.s32 s11, s12  }
0x47: {  	[hbm4b:s11+s6] =	stream.strided.scatter [tilespmem:s14], [sflag:$0x2], $0x4000, s7, s6, $0x38;
	[tilespmem:$0x10000] =	vst v63  }
.LBB1_8:
0x48: {  	_ =	sfence.sel $0x180000  }
0x49: {  	s2 =	simm.s32 $0x1;
	[bflag:$0x0] =	sbarrier.arrive $0xFFFF  }
0x4a: {  	s31 =	simm.s32 $0x2;
	[sflag:s2] =	ssyncpa.u1 $0x1  }
0x4b: {  	[sflag:s31] =	ssyncpa.u1 $0x1  }
0x4c: {  	p0 =	sne.s32 s1, $0x0;
	_ =	strace $0x90000047  }
0x4d: {  	s0 =	sadd.s32 @!p0 $0x100000, s0;
	[bflag:$0x2] =	sbarrier.arrive $0xFFFF  }
0x4e: {  	[sflag:s0] =	ssyncadd.tile.s32 @!p0 $0x1;
	_ =	shalt  }
.Lfunc_end1:
_tile_overlayer_lowered:
.L_overlay_start_2:
0x4f: {  	(tag) =	ssettag $0x2  }
0x50: {  	s0 =	rddreg [dreg:$0x0];
	s2 =	stileid.u32  }
0x51: {  	s1 =	rddreg [dreg:$0x1];
	p0 =	sne.s32 s2, $0x0  }
0x52: {  	s3 =	rddreg [dreg:$0x2];
	[bflag:$0x3] =	sbarrier.arrive $0xFFFF;
	s2 =	simm.s32 @!p0 $0x1C01  }
0x53: {  	[timem:s3], [sflag:s2] =	dma.local @!p0 [hbm:s0], s1  }
0x54: {  	s0 =	simm.s32 @!p0 $0x1  }
0x55: {  	_ =	swait.ge @!p0 [sflag:s0], s1  }
0x56: {  	s1 =	ssub.s32 @!p0 $0x0, s1;
	[sflag:s0] =	ssyncset.done @!p0 $0x0  }
0x57: {  	[sflag:s0] =	ssyncadd.s32 @!p0 s1  }
0x58: {  	[bflag:$0x3] =	sbarrier.arrive $0xFFFF  }
0x59: {  	_ =	shalt  }

</sc_bundles>
